<compile_context>
chip_gen: v7x
topology: tpu7x:2x2x1
jax: 0.10.2.dev20260603
libtpu: 0.0.44.dev20260713+nightly
codegen_flags: <defaults>
</compile_context>

<pallas_src>
import functools

import jax
import jax.numpy as jnp
from jax import lax
from jax.experimental import pallas as pl
from jax.experimental.pallas import tpu as pltpu
from jax.experimental.pallas import tpu_sc as plsc

CHUNK = 128
K = 4
NBUF = 2


@functools.partial(jax.jit, static_argnums=(2, 3))
def _gather_rows(weight, idx2, n_rows, d):
    info = plsc.get_sparse_core_info()
    nc, ns = info.num_cores, info.num_subcores
    nw = nc * ns
    rows_pw = n_rows // nw
    n_stages = rows_pw // K
    n_body = n_stages // NBUF - 1

    mesh = plsc.VectorSubcoreMesh(core_axis_name="c", subcore_axis_name="s")

    @functools.partial(
        pl.kernel,
        mesh=mesh,
        compiler_params=pltpu.CompilerParams(use_tc_tiling_on_sc=False),
        out_type=jax.ShapeDtypeStruct((n_rows, CHUNK, d), jnp.float32),
        scratch_types=[
            pltpu.VMEM((rows_pw, CHUNK), jnp.int32),
            pltpu.VMEM((K, CHUNK, d), jnp.float32),
            pltpu.VMEM((K, CHUNK, d), jnp.float32),
            pltpu.SemaphoreType.DMA,
            pltpu.SemaphoreType.DMA,
            pltpu.SemaphoreType.DMA,
            pltpu.SemaphoreType.DMA,
        ],
    )
    def k(table_hbm, idx_hbm, out_hbm, idx_v, rows0, rows1, g0, g1, s0, s1):
        wid = lax.axis_index("s") * nc + lax.axis_index("c")
        base = wid * rows_pw

        pltpu.sync_copy(idx_hbm.at[pl.ds(base, rows_pw)], idx_v)

        def fire_gather(stage, rows_v, sem):
            for j in range(K):
                pltpu.async_copy(
                    table_hbm.at[idx_v.at[stage * K + j]], rows_v.at[j], sem
                )

        def drain_gather(rows_v, sem):
            for j in range(K):
                pltpu.make_async_copy(
                    table_hbm.at[idx_v.at[j]], rows_v.at[j], sem
                ).wait()

        def drain_store(rows_v, sem):
            pltpu.make_async_copy(
                rows_v, out_hbm.at[pl.ds(base, K)], sem
            ).wait()

        def fire_store(stage, rows_v, sem):
            pltpu.async_copy(rows_v, out_hbm.at[pl.ds(base + stage * K, K)], sem)

        fire_gather(0, rows0, g0)
        fire_gather(1, rows1, g1)

        def body(t, carry):
            st0 = NBUF * t
            drain_gather(rows0, g0)
            fire_store(st0, rows0, s0)
            drain_store(rows0, s0)
            fire_gather(st0 + NBUF, rows0, g0)
            drain_gather(rows1, g1)
            fire_store(st0 + 1, rows1, s1)
            drain_store(rows1, s1)
            fire_gather(st0 + 1 + NBUF, rows1, g1)
            return carry

        lax.fori_loop(0, n_body, body, 0)

        last0 = NBUF * n_body
        drain_gather(rows0, g0)
        fire_store(last0, rows0, s0)
        drain_gather(rows1, g1)
        fire_store(last0 + 1, rows1, s1)
        drain_store(rows0, s0)
        drain_store(rows1, s1)

    return k(weight, idx2)


def kernel(token_ids, weight):
    b0, b1 = token_ids.shape
    v, d = weight.shape
    b = b0 * b1
    assert b % CHUNK == 0
    n_rows = b // CHUNK
    idx2 = token_ids.astype(jnp.int32).reshape(n_rows, CHUNK)
    out = _gather_rows(weight, idx2, n_rows, d)
    return out.reshape(b0, b1, d)

# --- scband reference (transcript-rebuilt; emitter-appended) ---
"""Pipeline reference for scband-embedding-71829033058612 (READ-ONLY COPY).

The authoritative reference and input builder live on the scoring server;
editing this copy changes nothing except your own understanding.
"""

import jax, jax.numpy as jnp
import numpy as np

NUM_EMBEDDINGS = 1000000
EMBEDDING_DIM = 64

def setup_inputs(seed: int = 0) -> dict:
    key = jax.random.key(seed)
    k_idx, k_w = jax.random.split(key)
    token_ids = jax.random.randint(k_idx, (4096, 200), 0, NUM_EMBEDDINGS, dtype=jnp.int64 if jax.config.jax_enable_x64 else jnp.int32)
    # trunc_normal_(mean=0, std=1, a=-3, b=3)
    weight = jax.random.truncated_normal(k_w, -3.0, 3.0, (NUM_EMBEDDINGS, EMBEDDING_DIM), dtype=jnp.float32)
    return {"token_ids": token_ids, "weight": weight}

def reference(token_ids, weight):
    # Plain row gather: weight[token_ids] -> (..., embedding_dim)
    return jnp.take(weight, token_ids, axis=0)

if __name__ == "__main__":
    import jax
    _d = setup_inputs()
    print(jax.jit(kernel)(*tuple(_d.values())))

</pallas_src>

<mosaic_0001>
#map = affine_map<(d0, d1) -> (0, 0)>
#map1 = affine_map<(d0, d1) -> (0, 0, 0)>
module attributes {stable_mosaic.version = 14 : i64} {
  func.func @k(%arg0: i32, %arg1: i32, %arg2: memref<1000000x64xf32, #tpu.memory_space<hbm>>, %arg3: memref<6400x128xi32, #tpu.memory_space<hbm>>, %arg4: memref<6400x128x64xf32, #tpu.memory_space<hbm>>, %arg5: memref<200x128xi32, #tpu.memory_space<vmem>>, %arg6: memref<4x128x64xf32, #tpu.memory_space<vmem>>, %arg7: memref<4x128x64xf32, #tpu.memory_space<vmem>>, %arg8: memref<!tpu.dma_semaphore, #tpu.memory_space<semaphore_mem>>, %arg9: memref<!tpu.dma_semaphore, #tpu.memory_space<semaphore_mem>>, %arg10: memref<!tpu.dma_semaphore, #tpu.memory_space<semaphore_mem>>, %arg11: memref<!tpu.dma_semaphore, #tpu.memory_space<semaphore_mem>>) attributes {dimension_semantics = [#tpu.dimension_semantics<core_parallel>, #tpu.dimension_semantics<subcore_parallel>], iteration_bounds = array<i64: 2, 16>, scalar_prefetch = 0 : i64, scratch_operands = 7 : i64, tpu.core_type = #tpu.core_type<sc_vector_subcore>, window_params = [{transform_indices = #map}, {transform_indices = #map}, {transform_indices = #map1}]} {
    %mul3A = arith.constant 2 : i32
    %mul3A_0 = arith.muli %arg1, %mul3A : i32
    %add3A = arith.addi %mul3A_0, %arg0 : i32
    %mul3A_1 = arith.constant 200 : i32
    %mul3A_2 = arith.muli %add3A, %mul3A_1 : i32
    "tpu.region"() ({
      %run_scoped3A = tpu.sem_alloc : memref<!tpu.dma_semaphore, #tpu.memory_space<semaphore_mem>>
      %dma_start3A_226 = arith.constant 0 : i32
      %dma_start3A_227 = tpu.memref_slice %arg3[%mul3A_2, %dma_start3A_226] : memref<6400x128xi32, #tpu.memory_space<hbm>> -> memref<200x128xi32, #tpu.memory_space<hbm>>
      %dma_start3A_228 = arith.constant 0 : i32
      %dma_start3A_229 = tpu.memref_slice %arg3[%mul3A_2, %dma_start3A_228] : memref<6400x128xi32, #tpu.memory_space<hbm>> -> memref<200x128xi32, #tpu.memory_space<hbm>>
      tpu.enqueue_dma source(%dma_start3A_229 : memref<200x128xi32, #tpu.memory_space<hbm>>) target(%arg5 : memref<200x128xi32, #tpu.memory_space<vmem>>) target_semaphore(%run_scoped3A : memref<!tpu.dma_semaphore, #tpu.memory_space<semaphore_mem>>)
      %dma_wait3A_230 = arith.constant 0 : i32
      %dma_wait3A_231 = tpu.memref_slice %arg3[%mul3A_2, %dma_wait3A_230] : memref<6400x128xi32, #tpu.memory_space<hbm>> -> memref<200x128xi32, #tpu.memory_space<hbm>>
      %dma_wait3A_232 = arith.constant 0 : i32
      %dma_wait3A_233 = tpu.memref_slice %arg3[%mul3A_2, %dma_wait3A_232] : memref<6400x128xi32, #tpu.memory_space<hbm>> -> memref<200x128xi32, #tpu.memory_space<hbm>>
      tpu.wait_dma2 semaphore(%run_scoped3A : memref<!tpu.dma_semaphore, #tpu.memory_space<semaphore_mem>>) src(%dma_wait3A_233 : memref<200x128xi32, #tpu.memory_space<hbm>>) dst(%arg5 : memref<200x128xi32, #tpu.memory_space<vmem>>)
      tpu.yield
    }) : () -> ()
    %dma_start3A = arith.constant 0 : i32
    %dma_start3A_3 = arith.constant 0 : i32
    %dma_start3A_4 = arith.constant 0 : i32
    %dma_start3A_5 = arith.constant 0 : i32
    %dma_start3A_6 = tpu.memref_slice %arg6[%dma_start3A_3, %dma_start3A_4, %dma_start3A_5] : memref<4x128x64xf32, #tpu.memory_space<vmem>> -> memref<1x128x64xf32, #tpu.memory_space<vmem>>
    %dma_start3A_7 = tpu.memref_squeeze %dma_start3A_6 : memref<1x128x64xf32, #tpu.memory_space<vmem>> -> memref<128x64xf32, #tpu.memory_space<vmem>>
    %dma_start3A_8 = arith.constant 0 : i32
    %dma_start3A_9 = tpu.memref_slice %arg5[%dma_start3A, %dma_start3A_8] : memref<200x128xi32, #tpu.memory_space<vmem>> -> memref<1x128xi32, #tpu.memory_space<vmem>>
    %dma_start3A_10 = tpu.memref_squeeze %dma_start3A_9 : memref<1x128xi32, #tpu.memory_space<vmem>> -> memref<128xi32, #tpu.memory_space<vmem>>
    %dma_start3A_11 = arith.constant 0 : i32
    %dma_start3A_12 = arith.constant 0 : i32
    %dma_start3A_13 = tpu.memref_slice %arg2[%dma_start3A_11, %dma_start3A_12] : memref<1000000x64xf32, #tpu.memory_space<hbm>> -> memref<1000000x64xf32, #tpu.memory_space<hbm>>
    tpu.enqueue_indirect_dma source(%dma_start3A_13 : memref<1000000x64xf32, #tpu.memory_space<hbm>>) target(%dma_start3A_7 : memref<128x64xf32, #tpu.memory_space<vmem>>) offsets(%dma_start3A_10 : memref<128xi32, #tpu.memory_space<vmem>>) semaphore(%arg8 : memref<!tpu.dma_semaphore, #tpu.memory_space<semaphore_mem>>)
    %dma_start3A_14 = arith.constant 1 : i32
    %dma_start3A_15 = arith.constant 1 : i32
    %dma_start3A_16 = arith.constant 0 : i32
    %dma_start3A_17 = arith.constant 0 : i32
    %dma_start3A_18 = tpu.memref_slice %arg6[%dma_start3A_15, %dma_start3A_16, %dma_start3A_17] : memref<4x128x64xf32, #tpu.memory_space<vmem>> -> memref<1x128x64xf32, #tpu.memory_space<vmem>>
    %dma_start3A_19 = tpu.memref_squeeze %dma_start3A_18 : memref<1x128x64xf32, #tpu.memory_space<vmem>> -> memref<128x64xf32, #tpu.memory_space<vmem>>
    %dma_start3A_20 = arith.constant 0 : i32
    %dma_start3A_21 = tpu.memref_slice %arg5[%dma_start3A_14, %dma_start3A_20] : memref<200x128xi32, #tpu.memory_space<vmem>> -> memref<1x128xi32, #tpu.memory_space<vmem>>
    %dma_start3A_22 = tpu.memref_squeeze %dma_start3A_21 : memref<1x128xi32, #tpu.memory_space<vmem>> -> memref<128xi32, #tpu.memory_space<vmem>>
    %dma_start3A_23 = arith.constant 0 : i32
    %dma_start3A_24 = arith.constant 0 : i32
    %dma_start3A_25 = tpu.memref_slice %arg2[%dma_start3A_23, %dma_start3A_24] : memref<1000000x64xf32, #tpu.memory_space<hbm>> -> memref<1000000x64xf32, #tpu.memory_space<hbm>>
    tpu.enqueue_indirect_dma source(%dma_start3A_25 : memref<1000000x64xf32, #tpu.memory_space<hbm>>) target(%dma_start3A_19 : memref<128x64xf32, #tpu.memory_space<vmem>>) offsets(%dma_start3A_22 : memref<128xi32, #tpu.memory_space<vmem>>) semaphore(%arg8 : memref<!tpu.dma_semaphore, #tpu.memory_space<semaphore_mem>>)
    %dma_start3A_26 = arith.constant 2 : i32
    %dma_start3A_27 = arith.constant 2 : i32
    %dma_start3A_28 = arith.constant 0 : i32
    %dma_start3A_29 = arith.constant 0 : i32
    %dma_start3A_30 = tpu.memref_slice %arg6[%dma_start3A_27, %dma_start3A_28, %dma_start3A_29] : memref<4x128x64xf32, #tpu.memory_space<vmem>> -> memref<1x128x64xf32, #tpu.memory_space<vmem>>
    %dma_start3A_31 = tpu.memref_squeeze %dma_start3A_30 : memref<1x128x64xf32, #tpu.memory_space<vmem>> -> memref<128x64xf32, #tpu.memory_space<vmem>>
    %dma_start3A_32 = arith.constant 0 : i32
    %dma_start3A_33 = tpu.memref_slice %arg5[%dma_start3A_26, %dma_start3A_32] : memref<200x128xi32, #tpu.memory_space<vmem>> -> memref<1x128xi32, #tpu.memory_space<vmem>>
    %dma_start3A_34 = tpu.memref_squeeze %dma_start3A_33 : memref<1x128xi32, #tpu.memory_space<vmem>> -> memref<128xi32, #tpu.memory_space<vmem>>
    %dma_start3A_35 = arith.constant 0 : i32
    %dma_start3A_36 = arith.constant 0 : i32
    %dma_start3A_37 = tpu.memref_slice %arg2[%dma_start3A_35, %dma_start3A_36] : memref<1000000x64xf32, #tpu.memory_space<hbm>> -> memref<1000000x64xf32, #tpu.memory_space<hbm>>
    tpu.enqueue_indirect_dma source(%dma_start3A_37 : memref<1000000x64xf32, #tpu.memory_space<hbm>>) target(%dma_start3A_31 : memref<128x64xf32, #tpu.memory_space<vmem>>) offsets(%dma_start3A_34 : memref<128xi32, #tpu.memory_space<vmem>>) semaphore(%arg8 : memref<!tpu.dma_semaphore, #tpu.memory_space<semaphore_mem>>)
    %dma_start3A_38 = arith.constant 3 : i32
    %dma_start3A_39 = arith.constant 3 : i32
    %dma_start3A_40 = arith.constant 0 : i32
    %dma_start3A_41 = arith.constant 0 : i32
    %dma_start3A_42 = tpu.memref_slice %arg6[%dma_start3A_39, %dma_start3A_40, %dma_start3A_41] : memref<4x128x64xf32, #tpu.memory_space<vmem>> -> memref<1x128x64xf32, #tpu.memory_space<vmem>>
    %dma_start3A_43 = tpu.memref_squeeze %dma_start3A_42 : memref<1x128x64xf32, #tpu.memory_space<vmem>> -> memref<128x64xf32, #tpu.memory_space<vmem>>
    %dma_start3A_44 = arith.constant 0 : i32
    %dma_start3A_45 = tpu.memref_slice %arg5[%dma_start3A_38, %dma_start3A_44] : memref<200x128xi32, #tpu.memory_space<vmem>> -> memref<1x128xi32, #tpu.memory_space<vmem>>
    %dma_start3A_46 = tpu.memref_squeeze %dma_start3A_45 : memref<1x128xi32, #tpu.memory_space<vmem>> -> memref<128xi32, #tpu.memory_space<vmem>>
    %dma_start3A_47 = arith.constant 0 : i32
    %dma_start3A_48 = arith.constant 0 : i32
    %dma_start3A_49 = tpu.memref_slice %arg2[%dma_start3A_47, %dma_start3A_48] : memref<1000000x64xf32, #tpu.memory_space<hbm>> -> memref<1000000x64xf32, #tpu.memory_space<hbm>>
    tpu.enqueue_indirect_dma source(%dma_start3A_49 : memref<1000000x64xf32, #tpu.memory_space<hbm>>) target(%dma_start3A_43 : memref<128x64xf32, #tpu.memory_space<vmem>>) offsets(%dma_start3A_46 : memref<128xi32, #tpu.memory_space<vmem>>) semaphore(%arg8 : memref<!tpu.dma_semaphore, #tpu.memory_space<semaphore_mem>>)
    %dma_start3A_50 = arith.constant 4 : i32
    %dma_start3A_51 = arith.constant 0 : i32
    %dma_start3A_52 = arith.constant 0 : i32
    %dma_start3A_53 = arith.constant 0 : i32
    %dma_start3A_54 = tpu.memref_slice %arg7[%dma_start3A_51, %dma_start3A_52, %dma_start3A_53] : memref<4x128x64xf32, #tpu.memory_space<vmem>> -> memref<1x128x64xf32, #tpu.memory_space<vmem>>
    %dma_start3A_55 = tpu.memref_squeeze %dma_start3A_54 : memref<1x128x64xf32, #tpu.memory_space<vmem>> -> memref<128x64xf32, #tpu.memory_space<vmem>>
    %dma_start3A_56 = arith.constant 0 : i32
    %dma_start3A_57 = tpu.memref_slice %arg5[%dma_start3A_50, %dma_start3A_56] : memref<200x128xi32, #tpu.memory_space<vmem>> -> memref<1x128xi32, #tpu.memory_space<vmem>>
    %dma_start3A_58 = tpu.memref_squeeze %dma_start3A_57 : memref<1x128xi32, #tpu.memory_space<vmem>> -> memref<128xi32, #tpu.memory_space<vmem>>
    %dma_start3A_59 = arith.constant 0 : i32
    %dma_start3A_60 = arith.constant 0 : i32
    %dma_start3A_61 = tpu.memref_slice %arg2[%dma_start3A_59, %dma_start3A_60] : memref<1000000x64xf32, #tpu.memory_space<hbm>> -> memref<1000000x64xf32, #tpu.memory_space<hbm>>
    tpu.enqueue_indirect_dma source(%dma_start3A_61 : memref<1000000x64xf32, #tpu.memory_space<hbm>>) target(%dma_start3A_55 : memref<128x64xf32, #tpu.memory_space<vmem>>) offsets(%dma_start3A_58 : memref<128xi32, #tpu.memory_space<vmem>>) semaphore(%arg9 : memref<!tpu.dma_semaphore, #tpu.memory_space<semaphore_mem>>)
    %dma_start3A_62 = arith.constant 5 : i32
    %dma_start3A_63 = arith.constant 1 : i32
    %dma_start3A_64 = arith.constant 0 : i32
    %dma_start3A_65 = arith.constant 0 : i32
    %dma_start3A_66 = tpu.memref_slice %arg7[%dma_start3A_63, %dma_start3A_64, %dma_start3A_65] : memref<4x128x64xf32, #tpu.memory_space<vmem>> -> memref<1x128x64xf32, #tpu.memory_space<vmem>>
    %dma_start3A_67 = tpu.memref_squeeze %dma_start3A_66 : memref<1x128x64xf32, #tpu.memory_space<vmem>> -> memref<128x64xf32, #tpu.memory_space<vmem>>
    %dma_start3A_68 = arith.constant 0 : i32
    %dma_start3A_69 = tpu.memref_slice %arg5[%dma_start3A_62, %dma_start3A_68] : memref<200x128xi32, #tpu.memory_space<vmem>> -> memref<1x128xi32, #tpu.memory_space<vmem>>
    %dma_start3A_70 = tpu.memref_squeeze %dma_start3A_69 : memref<1x128xi32, #tpu.memory_space<vmem>> -> memref<128xi32, #tpu.memory_space<vmem>>
    %dma_start3A_71 = arith.constant 0 : i32
    %dma_start3A_72 = arith.constant 0 : i32
    %dma_start3A_73 = tpu.memref_slice %arg2[%dma_start3A_71, %dma_start3A_72] : memref<1000000x64xf32, #tpu.memory_space<hbm>> -> memref<1000000x64xf32, #tpu.memory_space<hbm>>
    tpu.enqueue_indirect_dma source(%dma_start3A_73 : memref<1000000x64xf32, #tpu.memory_space<hbm>>) target(%dma_start3A_67 : memref<128x64xf32, #tpu.memory_space<vmem>>) offsets(%dma_start3A_70 : memref<128xi32, #tpu.memory_space<vmem>>) semaphore(%arg9 : memref<!tpu.dma_semaphore, #tpu.memory_space<semaphore_mem>>)
    %dma_start3A_74 = arith.constant 6 : i32
    %dma_start3A_75 = arith.constant 2 : i32
    %dma_start3A_76 = arith.constant 0 : i32
    %dma_start3A_77 = arith.constant 0 : i32
    %dma_start3A_78 = tpu.memref_slice %arg7[%dma_start3A_75, %dma_start3A_76, %dma_start3A_77] : memref<4x128x64xf32, #tpu.memory_space<vmem>> -> memref<1x128x64xf32, #tpu.memory_space<vmem>>
    %dma_start3A_79 = tpu.memref_squeeze %dma_start3A_78 : memref<1x128x64xf32, #tpu.memory_space<vmem>> -> memref<128x64xf32, #tpu.memory_space<vmem>>
    %dma_start3A_80 = arith.constant 0 : i32
    %dma_start3A_81 = tpu.memref_slice %arg5[%dma_start3A_74, %dma_start3A_80] : memref<200x128xi32, #tpu.memory_space<vmem>> -> memref<1x128xi32, #tpu.memory_space<vmem>>
    %dma_start3A_82 = tpu.memref_squeeze %dma_start3A_81 : memref<1x128xi32, #tpu.memory_space<vmem>> -> memref<128xi32, #tpu.memory_space<vmem>>
    %dma_start3A_83 = arith.constant 0 : i32
    %dma_start3A_84 = arith.constant 0 : i32
    %dma_start3A_85 = tpu.memref_slice %arg2[%dma_start3A_83, %dma_start3A_84] : memref<1000000x64xf32, #tpu.memory_space<hbm>> -> memref<1000000x64xf32, #tpu.memory_space<hbm>>
    tpu.enqueue_indirect_dma source(%dma_start3A_85 : memref<1000000x64xf32, #tpu.memory_space<hbm>>) target(%dma_start3A_79 : memref<128x64xf32, #tpu.memory_space<vmem>>) offsets(%dma_start3A_82 : memref<128xi32, #tpu.memory_space<vmem>>) semaphore(%arg9 : memref<!tpu.dma_semaphore, #tpu.memory_space<semaphore_mem>>)
    %dma_start3A_86 = arith.constant 7 : i32
    %dma_start3A_87 = arith.constant 3 : i32
    %dma_start3A_88 = arith.constant 0 : i32
    %dma_start3A_89 = arith.constant 0 : i32
    %dma_start3A_90 = tpu.memref_slice %arg7[%dma_start3A_87, %dma_start3A_88, %dma_start3A_89] : memref<4x128x64xf32, #tpu.memory_space<vmem>> -> memref<1x128x64xf32, #tpu.memory_space<vmem>>
    %dma_start3A_91 = tpu.memref_squeeze %dma_start3A_90 : memref<1x128x64xf32, #tpu.memory_space<vmem>> -> memref<128x64xf32, #tpu.memory_space<vmem>>
    %dma_start3A_92 = arith.constant 0 : i32
    %dma_start3A_93 = tpu.memref_slice %arg5[%dma_start3A_86, %dma_start3A_92] : memref<200x128xi32, #tpu.memory_space<vmem>> -> memref<1x128xi32, #tpu.memory_space<vmem>>
    %dma_start3A_94 = tpu.memref_squeeze %dma_start3A_93 : memref<1x128xi32, #tpu.memory_space<vmem>> -> memref<128xi32, #tpu.memory_space<vmem>>
    %dma_start3A_95 = arith.constant 0 : i32
    %dma_start3A_96 = arith.constant 0 : i32
    %dma_start3A_97 = tpu.memref_slice %arg2[%dma_start3A_95, %dma_start3A_96] : memref<1000000x64xf32, #tpu.memory_space<hbm>> -> memref<1000000x64xf32, #tpu.memory_space<hbm>>
    tpu.enqueue_indirect_dma source(%dma_start3A_97 : memref<1000000x64xf32, #tpu.memory_space<hbm>>) target(%dma_start3A_91 : memref<128x64xf32, #tpu.memory_space<vmem>>) offsets(%dma_start3A_94 : memref<128xi32, #tpu.memory_space<vmem>>) semaphore(%arg9 : memref<!tpu.dma_semaphore, #tpu.memory_space<semaphore_mem>>)
    %scan3A = arith.constant 0 : i32
    %scan3A_98 = arith.constant 0 : i32
    %scan3A_99 = arith.constant 24 : i32
    %scan3A_100 = arith.addi %scan3A_98, %scan3A_99 : i32
    %scan3A_101 = arith.constant 1 : i32
    scf.for %scan3A_226 = %scan3A_98 to %scan3A_100 step %scan3A_101  : i32 {
      %mul3A_227 = arith.constant 2 : i32
      %mul3A_228 = arith.muli %mul3A_227, %scan3A_226 : i32
      %dma_wait3A_229 = arith.constant 0 : i32
      %dma_wait3A_230 = arith.constant 0 : i32
      %dma_wait3A_231 = arith.constant 0 : i32
      %dma_wait3A_232 = arith.constant 0 : i32
      %dma_wait3A_233 = tpu.memref_slice %arg6[%dma_wait3A_230, %dma_wait3A_231, %dma_wait3A_232] : memref<4x128x64xf32, #tpu.memory_space<vmem>> -> memref<1x128x64xf32, #tpu.memory_space<vmem>>
      %dma_wait3A_234 = tpu.memref_squeeze %dma_wait3A_233 : memref<1x128x64xf32, #tpu.memory_space<vmem>> -> memref<128x64xf32, #tpu.memory_space<vmem>>
      %dma_wait3A_235 = arith.constant 0 : i32
      %dma_wait3A_236 = tpu.memref_slice %arg5[%dma_wait3A_229, %dma_wait3A_235] : memref<200x128xi32, #tpu.memory_space<vmem>> -> memref<1x128xi32, #tpu.memory_space<vmem>>
      %dma_wait3A_237 = tpu.memref_squeeze %dma_wait3A_236 : memref<1x128xi32, #tpu.memory_space<vmem>> -> memref<128xi32, #tpu.memory_space<vmem>>
      %dma_wait3A_238 = arith.constant 0 : i32
      %dma_wait3A_239 = arith.constant 0 : i32
      %dma_wait3A_240 = tpu.memref_slice %arg2[%dma_wait3A_238, %dma_wait3A_239] : memref<1000000x64xf32, #tpu.memory_space<hbm>> -> memref<1000000x64xf32, #tpu.memory_space<hbm>>
      tpu.wait_indirect_dma semaphore(%arg8 : memref<!tpu.dma_semaphore, #tpu.memory_space<semaphore_mem>>) src(%dma_wait3A_240 : memref<1000000x64xf32, #tpu.memory_space<hbm>>) dst(%dma_wait3A_234 : memref<128x64xf32, #tpu.memory_space<vmem>>)
      %dma_wait3A_241 = arith.constant 1 : i32
      %dma_wait3A_242 = arith.constant 1 : i32
      %dma_wait3A_243 = arith.constant 0 : i32
      %dma_wait3A_244 = arith.constant 0 : i32
      %dma_wait3A_245 = tpu.memref_slice %arg6[%dma_wait3A_242, %dma_wait3A_243, %dma_wait3A_244] : memref<4x128x64xf32, #tpu.memory_space<vmem>> -> memref<1x128x64xf32, #tpu.memory_space<vmem>>
      %dma_wait3A_246 = tpu.memref_squeeze %dma_wait3A_245 : memref<1x128x64xf32, #tpu.memory_space<vmem>> -> memref<128x64xf32, #tpu.memory_space<vmem>>
      %dma_wait3A_247 = arith.constant 0 : i32
      %dma_wait3A_248 = tpu.memref_slice %arg5[%dma_wait3A_241, %dma_wait3A_247] : memref<200x128xi32, #tpu.memory_space<vmem>> -> memref<1x128xi32, #tpu.memory_space<vmem>>
      %dma_wait3A_249 = tpu.memref_squeeze %dma_wait3A_248 : memref<1x128xi32, #tpu.memory_space<vmem>> -> memref<128xi32, #tpu.memory_space<vmem>>
      %dma_wait3A_250 = arith.constant 0 : i32
      %dma_wait3A_251 = arith.constant 0 : i32
      %dma_wait3A_252 = tpu.memref_slice %arg2[%dma_wait3A_250, %dma_wait3A_251] : memref<1000000x64xf32, #tpu.memory_space<hbm>> -> memref<1000000x64xf32, #tpu.memory_space<hbm>>
      tpu.wait_indirect_dma semaphore(%arg8 : memref<!tpu.dma_semaphore, #tpu.memory_space<semaphore_mem>>) src(%dma_wait3A_252 : memref<1000000x64xf32, #tpu.memory_space<hbm>>) dst(%dma_wait3A_246 : memref<128x64xf32, #tpu.memory_space<vmem>>)
      %dma_wait3A_253 = arith.constant 2 : i32
      %dma_wait3A_254 = arith.constant 2 : i32
      %dma_wait3A_255 = arith.constant 0 : i32
      %dma_wait3A_256 = arith.constant 0 : i32
      %dma_wait3A_257 = tpu.memref_slice %arg6[%dma_wait3A_254, %dma_wait3A_255, %dma_wait3A_256] : memref<4x128x64xf32, #tpu.memory_space<vmem>> -> memref<1x128x64xf32, #tpu.memory_space<vmem>>
      %dma_wait3A_258 = tpu.memref_squeeze %dma_wait3A_257 : memref<1x128x64xf32, #tpu.memory_space<vmem>> -> memref<128x64xf32, #tpu.memory_space<vmem>>
      %dma_wait3A_259 = arith.constant 0 : i32
      %dma_wait3A_260 = tpu.memref_slice %arg5[%dma_wait3A_253, %dma_wait3A_259] : memref<200x128xi32, #tpu.memory_space<vmem>> -> memref<1x128xi32, #tpu.memory_space<vmem>>
      %dma_wait3A_261 = tpu.memref_squeeze %dma_wait3A_260 : memref<1x128xi32, #tpu.memory_space<vmem>> -> memref<128xi32, #tpu.memory_space<vmem>>
      %dma_wait3A_262 = arith.constant 0 : i32
      %dma_wait3A_263 = arith.constant 0 : i32
      %dma_wait3A_264 = tpu.memref_slice %arg2[%dma_wait3A_262, %dma_wait3A_263] : memref<1000000x64xf32, #tpu.memory_space<hbm>> -> memref<1000000x64xf32, #tpu.memory_space<hbm>>
      tpu.wait_indirect_dma semaphore(%arg8 : memref<!tpu.dma_semaphore, #tpu.memory_space<semaphore_mem>>) src(%dma_wait3A_264 : memref<1000000x64xf32, #tpu.memory_space<hbm>>) dst(%dma_wait3A_258 : memref<128x64xf32, #tpu.memory_space<vmem>>)
      %dma_wait3A_265 = arith.constant 3 : i32
      %dma_wait3A_266 = arith.constant 3 : i32
      %dma_wait3A_267 = arith.constant 0 : i32
      %dma_wait3A_268 = arith.constant 0 : i32
      %dma_wait3A_269 = tpu.memref_slice %arg6[%dma_wait3A_266, %dma_wait3A_267, %dma_wait3A_268] : memref<4x128x64xf32, #tpu.memory_space<vmem>> -> memref<1x128x64xf32, #tpu.memory_space<vmem>>
      %dma_wait3A_270 = tpu.memref_squeeze %dma_wait3A_269 : memref<1x128x64xf32, #tpu.memory_space<vmem>> -> memref<128x64xf32, #tpu.memory_space<vmem>>
      %dma_wait3A_271 = arith.constant 0 : i32
      %dma_wait3A_272 = tpu.memref_slice %arg5[%dma_wait3A_265, %dma_wait3A_271] : memref<200x128xi32, #tpu.memory_space<vmem>> -> memref<1x128xi32, #tpu.memory_space<vmem>>
      %dma_wait3A_273 = tpu.memref_squeeze %dma_wait3A_272 : memref<1x128xi32, #tpu.memory_space<vmem>> -> memref<128xi32, #tpu.memory_space<vmem>>
      %dma_wait3A_274 = arith.constant 0 : i32
      %dma_wait3A_275 = arith.constant 0 : i32
      %dma_wait3A_276 = tpu.memref_slice %arg2[%dma_wait3A_274, %dma_wait3A_275] : memref<1000000x64xf32, #tpu.memory_space<hbm>> -> memref<1000000x64xf32, #tpu.memory_space<hbm>>
      tpu.wait_indirect_dma semaphore(%arg8 : memref<!tpu.dma_semaphore, #tpu.memory_space<semaphore_mem>>) src(%dma_wait3A_276 : memref<1000000x64xf32, #tpu.memory_space<hbm>>) dst(%dma_wait3A_270 : memref<128x64xf32, #tpu.memory_space<vmem>>)
      %mul3A_277 = arith.constant 4 : i32
      %mul3A_278 = arith.muli %mul3A_228, %mul3A_277 : i32
      %add3A_279 = arith.addi %mul3A_2, %mul3A_278 : i32
      %dma_start3A_280 = arith.constant 0 : i32
      %dma_start3A_281 = arith.constant 0 : i32
      %dma_start3A_282 = tpu.memref_slice %arg4[%add3A_279, %dma_start3A_280, %dma_start3A_281] : memref<6400x128x64xf32, #tpu.memory_space<hbm>> -> memref<4x128x64xf32, #tpu.memory_space<hbm>>
      %dma_start3A_283 = arith.constant 0 : i32
      %dma_start3A_284 = arith.constant 0 : i32
      %dma_start3A_285 = tpu.memref_slice %arg4[%add3A_279, %dma_start3A_283, %dma_start3A_284] : memref<6400x128x64xf32, #tpu.memory_space<hbm>> -> memref<4x128x64xf32, #tpu.memory_space<hbm>>
      tpu.enqueue_dma source(%arg6 : memref<4x128x64xf32, #tpu.memory_space<vmem>>) target(%dma_start3A_285 : memref<4x128x64xf32, #tpu.memory_space<hbm>>) target_semaphore(%arg10 : memref<!tpu.dma_semaphore, #tpu.memory_space<semaphore_mem>>)
      %dma_wait3A_286 = arith.constant 0 : i32
      %dma_wait3A_287 = arith.constant 0 : i32
      %dma_wait3A_288 = tpu.memref_slice %arg4[%mul3A_2, %dma_wait3A_286, %dma_wait3A_287] : memref<6400x128x64xf32, #tpu.memory_space<hbm>> -> memref<4x128x64xf32, #tpu.memory_space<hbm>>
      %dma_wait3A_289 = arith.constant 0 : i32
      %dma_wait3A_290 = arith.constant 0 : i32
      %dma_wait3A_291 = tpu.memref_slice %arg4[%mul3A_2, %dma_wait3A_289, %dma_wait3A_290] : memref<6400x128x64xf32, #tpu.memory_space<hbm>> -> memref<4x128x64xf32, #tpu.memory_space<hbm>>
      tpu.wait_dma2 semaphore(%arg10 : memref<!tpu.dma_semaphore, #tpu.memory_space<semaphore_mem>>) src(%arg6 : memref<4x128x64xf32, #tpu.memory_space<vmem>>) dst(%dma_wait3A_291 : memref<4x128x64xf32, #tpu.memory_space<hbm>>)
      %add3A_292 = arith.constant 2 : i32
      %add3A_293 = arith.addi %mul3A_228, %add3A_292 : i32
      %mul3A_294 = arith.constant 4 : i32
      %mul3A_295 = arith.muli %add3A_293, %mul3A_294 : i32
      %add3A_296 = arith.constant 0 : i32
      %add3A_297 = arith.addi %mul3A_295, %add3A_296 : i32
      %dma_start3A_298 = arith.constant 0 : i32
      %dma_start3A_299 = arith.constant 0 : i32
      %dma_start3A_300 = arith.constant 0 : i32
      %dma_start3A_301 = tpu.memref_slice %arg6[%dma_start3A_298, %dma_start3A_299, %dma_start3A_300] : memref<4x128x64xf32, #tpu.memory_space<vmem>> -> memref<1x128x64xf32, #tpu.memory_space<vmem>>
      %dma_start3A_302 = tpu.memref_squeeze %dma_start3A_301 : memref<1x128x64xf32, #tpu.memory_space<vmem>> -> memref<128x64xf32, #tpu.memory_space<vmem>>
      %dma_start3A_303 = arith.constant 0 : i32
      %dma_start3A_304 = tpu.memref_slice %arg5[%add3A_297, %dma_start3A_303] : memref<200x128xi32, #tpu.memory_space<vmem>> -> memref<1x128xi32, #tpu.memory_space<vmem>>
      %dma_start3A_305 = tpu.memref_squeeze %dma_start3A_304 : memref<1x128xi32, #tpu.memory_space<vmem>> -> memref<128xi32, #tpu.memory_space<vmem>>
      %dma_start3A_306 = arith.constant 0 : i32
      %dma_start3A_307 = arith.constant 0 : i32
      %dma_start3A_308 = tpu.memref_slice %arg2[%dma_start3A_306, %dma_start3A_307] : memref<1000000x64xf32, #tpu.memory_space<hbm>> -> memref<1000000x64xf32, #tpu.memory_space<hbm>>
      tpu.enqueue_indirect_dma source(%dma_start3A_308 : memref<1000000x64xf32, #tpu.memory_space<hbm>>) target(%dma_start3A_302 : memref<128x64xf32, #tpu.memory_space<vmem>>) offsets(%dma_start3A_305 : memref<128xi32, #tpu.memory_space<vmem>>) semaphore(%arg8 : memref<!tpu.dma_semaphore, #tpu.memory_space<semaphore_mem>>)
      %mul3A_309 = arith.constant 4 : i32
      %mul3A_310 = arith.muli %add3A_293, %mul3A_309 : i32
      %add3A_311 = arith.constant 1 : i32
      %add3A_312 = arith.addi %mul3A_310, %add3A_311 : i32
      %dma_start3A_313 = arith.constant 1 : i32
      %dma_start3A_314 = arith.constant 0 : i32
      %dma_start3A_315 = arith.constant 0 : i32
      %dma_start3A_316 = tpu.memref_slice %arg6[%dma_start3A_313, %dma_start3A_314, %dma_start3A_315] : memref<4x128x64xf32, #tpu.memory_space<vmem>> -> memref<1x128x64xf32, #tpu.memory_space<vmem>>
      %dma_start3A_317 = tpu.memref_squeeze %dma_start3A_316 : memref<1x128x64xf32, #tpu.memory_space<vmem>> -> memref<128x64xf32, #tpu.memory_space<vmem>>
      %dma_start3A_318 = arith.constant 0 : i32
      %dma_start3A_319 = tpu.memref_slice %arg5[%add3A_312, %dma_start3A_318] : memref<200x128xi32, #tpu.memory_space<vmem>> -> memref<1x128xi32, #tpu.memory_space<vmem>>
      %dma_start3A_320 = tpu.memref_squeeze %dma_start3A_319 : memref<1x128xi32, #tpu.memory_space<vmem>> -> memref<128xi32, #tpu.memory_space<vmem>>
      %dma_start3A_321 = arith.constant 0 : i32
      %dma_start3A_322 = arith.constant 0 : i32
      %dma_start3A_323 = tpu.memref_slice %arg2[%dma_start3A_321, %dma_start3A_322] : memref<1000000x64xf32, #tpu.memory_space<hbm>> -> memref<1000000x64xf32, #tpu.memory_space<hbm>>
      tpu.enqueue_indirect_dma source(%dma_start3A_323 : memref<1000000x64xf32, #tpu.memory_space<hbm>>) target(%dma_start3A_317 : memref<128x64xf32, #tpu.memory_space<vmem>>) offsets(%dma_start3A_320 : memref<128xi32, #tpu.memory_space<vmem>>) semaphore(%arg8 : memref<!tpu.dma_semaphore, #tpu.memory_space<semaphore_mem>>)
      %mul3A_324 = arith.constant 4 : i32
      %mul3A_325 = arith.muli %add3A_293, %mul3A_324 : i32
      %add3A_326 = arith.constant 2 : i32
      %add3A_327 = arith.addi %mul3A_325, %add3A_326 : i32
      %dma_start3A_328 = arith.constant 2 : i32
      %dma_start3A_329 = arith.constant 0 : i32
      %dma_start3A_330 = arith.constant 0 : i32
      %dma_start3A_331 = tpu.memref_slice %arg6[%dma_start3A_328, %dma_start3A_329, %dma_start3A_330] : memref<4x128x64xf32, #tpu.memory_space<vmem>> -> memref<1x128x64xf32, #tpu.memory_space<vmem>>
      %dma_start3A_332 = tpu.memref_squeeze %dma_start3A_331 : memref<1x128x64xf32, #tpu.memory_space<vmem>> -> memref<128x64xf32, #tpu.memory_space<vmem>>
      %dma_start3A_333 = arith.constant 0 : i32
      %dma_start3A_334 = tpu.memref_slice %arg5[%add3A_327, %dma_start3A_333] : memref<200x128xi32, #tpu.memory_space<vmem>> -> memref<1x128xi32, #tpu.memory_space<vmem>>
      %dma_start3A_335 = tpu.memref_squeeze %dma_start3A_334 : memref<1x128xi32, #tpu.memory_space<vmem>> -> memref<128xi32, #tpu.memory_space<vmem>>
      %dma_start3A_336 = arith.constant 0 : i32
      %dma_start3A_337 = arith.constant 0 : i32
      %dma_start3A_338 = tpu.memref_slice %arg2[%dma_start3A_336, %dma_start3A_337] : memref<1000000x64xf32, #tpu.memory_space<hbm>> -> memref<1000000x64xf32, #tpu.memory_space<hbm>>
      tpu.enqueue_indirect_dma source(%dma_start3A_338 : memref<1000000x64xf32, #tpu.memory_space<hbm>>) target(%dma_start3A_332 : memref<128x64xf32, #tpu.memory_space<vmem>>) offsets(%dma_start3A_335 : memref<128xi32, #tpu.memory_space<vmem>>) semaphore(%arg8 : memref<!tpu.dma_semaphore, #tpu.memory_space<semaphore_mem>>)
      %mul3A_339 = arith.constant 4 : i32
      %mul3A_340 = arith.muli %add3A_293, %mul3A_339 : i32
      %add3A_341 = arith.constant 3 : i32
      %add3A_342 = arith.addi %mul3A_340, %add3A_341 : i32
      %dma_start3A_343 = arith.constant 3 : i32
      %dma_start3A_344 = arith.constant 0 : i32
      %dma_start3A_345 = arith.constant 0 : i32
      %dma_start3A_346 = tpu.memref_slice %arg6[%dma_start3A_343, %dma_start3A_344, %dma_start3A_345] : memref<4x128x64xf32, #tpu.memory_space<vmem>> -> memref<1x128x64xf32, #tpu.memory_space<vmem>>
      %dma_start3A_347 = tpu.memref_squeeze %dma_start3A_346 : memref<1x128x64xf32, #tpu.memory_space<vmem>> -> memref<128x64xf32, #tpu.memory_space<vmem>>
      %dma_start3A_348 = arith.constant 0 : i32
      %dma_start3A_349 = tpu.memref_slice %arg5[%add3A_342, %dma_start3A_348] : memref<200x128xi32, #tpu.memory_space<vmem>> -> memref<1x128xi32, #tpu.memory_space<vmem>>
      %dma_start3A_350 = tpu.memref_squeeze %dma_start3A_349 : memref<1x128xi32, #tpu.memory_space<vmem>> -> memref<128xi32, #tpu.memory_space<vmem>>
      %dma_start3A_351 = arith.constant 0 : i32
      %dma_start3A_352 = arith.constant 0 : i32
      %dma_start3A_353 = tpu.memref_slice %arg2[%dma_start3A_351, %dma_start3A_352] : memref<1000000x64xf32, #tpu.memory_space<hbm>> -> memref<1000000x64xf32, #tpu.memory_space<hbm>>
      tpu.enqueue_indirect_dma source(%dma_start3A_353 : memref<1000000x64xf32, #tpu.memory_space<hbm>>) target(%dma_start3A_347 : memref<128x64xf32, #tpu.memory_space<vmem>>) offsets(%dma_start3A_350 : memref<128xi32, #tpu.memory_space<vmem>>) semaphore(%arg8 : memref<!tpu.dma_semaphore, #tpu.memory_space<semaphore_mem>>)
      %dma_wait3A_354 = arith.constant 0 : i32
      %dma_wait3A_355 = arith.constant 0 : i32
      %dma_wait3A_356 = arith.constant 0 : i32
      %dma_wait3A_357 = arith.constant 0 : i32
      %dma_wait3A_358 = tpu.memref_slice %arg7[%dma_wait3A_355, %dma_wait3A_356, %dma_wait3A_357] : memref<4x128x64xf32, #tpu.memory_space<vmem>> -> memref<1x128x64xf32, #tpu.memory_space<vmem>>
      %dma_wait3A_359 = tpu.memref_squeeze %dma_wait3A_358 : memref<1x128x64xf32, #tpu.memory_space<vmem>> -> memref<128x64xf32, #tpu.memory_space<vmem>>
      %dma_wait3A_360 = arith.constant 0 : i32
      %dma_wait3A_361 = tpu.memref_slice %arg5[%dma_wait3A_354, %dma_wait3A_360] : memref<200x128xi32, #tpu.memory_space<vmem>> -> memref<1x128xi32, #tpu.memory_space<vmem>>
      %dma_wait3A_362 = tpu.memref_squeeze %dma_wait3A_361 : memref<1x128xi32, #tpu.memory_space<vmem>> -> memref<128xi32, #tpu.memory_space<vmem>>
      %dma_wait3A_363 = arith.constant 0 : i32
      %dma_wait3A_364 = arith.constant 0 : i32
      %dma_wait3A_365 = tpu.memref_slice %arg2[%dma_wait3A_363, %dma_wait3A_364] : memref<1000000x64xf32, #tpu.memory_space<hbm>> -> memref<1000000x64xf32, #tpu.memory_space<hbm>>
      tpu.wait_indirect_dma semaphore(%arg9 : memref<!tpu.dma_semaphore, #tpu.memory_space<semaphore_mem>>) src(%dma_wait3A_365 : memref<1000000x64xf32, #tpu.memory_space<hbm>>) dst(%dma_wait3A_359 : memref<128x64xf32, #tpu.memory_space<vmem>>)
      %dma_wait3A_366 = arith.constant 1 : i32
      %dma_wait3A_367 = arith.constant 1 : i32
      %dma_wait3A_368 = arith.constant 0 : i32
      %dma_wait3A_369 = arith.constant 0 : i32
      %dma_wait3A_370 = tpu.memref_slice %arg7[%dma_wait3A_367, %dma_wait3A_368, %dma_wait3A_369] : memref<4x128x64xf32, #tpu.memory_space<vmem>> -> memref<1x128x64xf32, #tpu.memory_space<vmem>>
      %dma_wait3A_371 = tpu.memref_squeeze %dma_wait3A_370 : memref<1x128x64xf32, #tpu.memory_space<vmem>> -> memref<128x64xf32, #tpu.memory_space<vmem>>
      %dma_wait3A_372 = arith.constant 0 : i32
      %dma_wait3A_373 = tpu.memref_slice %arg5[%dma_wait3A_366, %dma_wait3A_372] : memref<200x128xi32, #tpu.memory_space<vmem>> -> memref<1x128xi32, #tpu.memory_space<vmem>>
      %dma_wait3A_374 = tpu.memref_squeeze %dma_wait3A_373 : memref<1x128xi32, #tpu.memory_space<vmem>> -> memref<128xi32, #tpu.memory_space<vmem>>
      %dma_wait3A_375 = arith.constant 0 : i32
      %dma_wait3A_376 = arith.constant 0 : i32
      %dma_wait3A_377 = tpu.memref_slice %arg2[%dma_wait3A_375, %dma_wait3A_376] : memref<1000000x64xf32, #tpu.memory_space<hbm>> -> memref<1000000x64xf32, #tpu.memory_space<hbm>>
      tpu.wait_indirect_dma semaphore(%arg9 : memref<!tpu.dma_semaphore, #tpu.memory_space<semaphore_mem>>) src(%dma_wait3A_377 : memref<1000000x64xf32, #tpu.memory_space<hbm>>) dst(%dma_wait3A_371 : memref<128x64xf32, #tpu.memory_space<vmem>>)
      %dma_wait3A_378 = arith.constant 2 : i32
      %dma_wait3A_379 = arith.constant 2 : i32
      %dma_wait3A_380 = arith.constant 0 : i32
      %dma_wait3A_381 = arith.constant 0 : i32
      %dma_wait3A_382 = tpu.memref_slice %arg7[%dma_wait3A_379, %dma_wait3A_380, %dma_wait3A_381] : memref<4x128x64xf32, #tpu.memory_space<vmem>> -> memref<1x128x64xf32, #tpu.memory_space<vmem>>
      %dma_wait3A_383 = tpu.memref_squeeze %dma_wait3A_382 : memref<1x128x64xf32, #tpu.memory_space<vmem>> -> memref<128x64xf32, #tpu.memory_space<vmem>>
      %dma_wait3A_384 = arith.constant 0 : i32
      %dma_wait3A_385 = tpu.memref_slice %arg5[%dma_wait3A_378, %dma_wait3A_384] : memref<200x128xi32, #tpu.memory_space<vmem>> -> memref<1x128xi32, #tpu.memory_space<vmem>>
      %dma_wait3A_386 = tpu.memref_squeeze %dma_wait3A_385 : memref<1x128xi32, #tpu.memory_space<vmem>> -> memref<128xi32, #tpu.memory_space<vmem>>
      %dma_wait3A_387 = arith.constant 0 : i32
      %dma_wait3A_388 = arith.constant 0 : i32
      %dma_wait3A_389 = tpu.memref_slice %arg2[%dma_wait3A_387, %dma_wait3A_388] : memref<1000000x64xf32, #tpu.memory_space<hbm>> -> memref<1000000x64xf32, #tpu.memory_space<hbm>>
      tpu.wait_indirect_dma semaphore(%arg9 : memref<!tpu.dma_semaphore, #tpu.memory_space<semaphore_mem>>) src(%dma_wait3A_389 : memref<1000000x64xf32, #tpu.memory_space<hbm>>) dst(%dma_wait3A_383 : memref<128x64xf32, #tpu.memory_space<vmem>>)
      %dma_wait3A_390 = arith.constant 3 : i32
      %dma_wait3A_391 = arith.constant 3 : i32
      %dma_wait3A_392 = arith.constant 0 : i32
      %dma_wait3A_393 = arith.constant 0 : i32
      %dma_wait3A_394 = tpu.memref_slice %arg7[%dma_wait3A_391, %dma_wait3A_392, %dma_wait3A_393] : memref<4x128x64xf32, #tpu.memory_space<vmem>> -> memref<1x128x64xf32, #tpu.memory_space<vmem>>
      %dma_wait3A_395 = tpu.memref_squeeze %dma_wait3A_394 : memref<1x128x64xf32, #tpu.memory_space<vmem>> -> memref<128x64xf32, #tpu.memory_space<vmem>>
      %dma_wait3A_396 = arith.constant 0 : i32
      %dma_wait3A_397 = tpu.memref_slice %arg5[%dma_wait3A_390, %dma_wait3A_396] : memref<200x128xi32, #tpu.memory_space<vmem>> -> memref<1x128xi32, #tpu.memory_space<vmem>>
      %dma_wait3A_398 = tpu.memref_squeeze %dma_wait3A_397 : memref<1x128xi32, #tpu.memory_space<vmem>> -> memref<128xi32, #tpu.memory_space<vmem>>
      %dma_wait3A_399 = arith.constant 0 : i32
      %dma_wait3A_400 = arith.constant 0 : i32
      %dma_wait3A_401 = tpu.memref_slice %arg2[%dma_wait3A_399, %dma_wait3A_400] : memref<1000000x64xf32, #tpu.memory_space<hbm>> -> memref<1000000x64xf32, #tpu.memory_space<hbm>>
      tpu.wait_indirect_dma semaphore(%arg9 : memref<!tpu.dma_semaphore, #tpu.memory_space<semaphore_mem>>) src(%dma_wait3A_401 : memref<1000000x64xf32, #tpu.memory_space<hbm>>) dst(%dma_wait3A_395 : memref<128x64xf32, #tpu.memory_space<vmem>>)
      %add3A_402 = arith.constant 1 : i32
      %add3A_403 = arith.addi %mul3A_228, %add3A_402 : i32
      %mul3A_404 = arith.constant 4 : i32
      %mul3A_405 = arith.muli %add3A_403, %mul3A_404 : i32
      %add3A_406 = arith.addi %mul3A_2, %mul3A_405 : i32
      %dma_start3A_407 = arith.constant 0 : i32
      %dma_start3A_408 = arith.constant 0 : i32
      %dma_start3A_409 = tpu.memref_slice %arg4[%add3A_406, %dma_start3A_407, %dma_start3A_408] : memref<6400x128x64xf32, #tpu.memory_space<hbm>> -> memref<4x128x64xf32, #tpu.memory_space<hbm>>
      %dma_start3A_410 = arith.constant 0 : i32
      %dma_start3A_411 = arith.constant 0 : i32
      %dma_start3A_412 = tpu.memref_slice %arg4[%add3A_406, %dma_start3A_410, %dma_start3A_411] : memref<6400x128x64xf32, #tpu.memory_space<hbm>> -> memref<4x128x64xf32, #tpu.memory_space<hbm>>
      tpu.enqueue_dma source(%arg7 : memref<4x128x64xf32, #tpu.memory_space<vmem>>) target(%dma_start3A_412 : memref<4x128x64xf32, #tpu.memory_space<hbm>>) target_semaphore(%arg11 : memref<!tpu.dma_semaphore, #tpu.memory_space<semaphore_mem>>)
      %dma_wait3A_413 = arith.constant 0 : i32
      %dma_wait3A_414 = arith.constant 0 : i32
      %dma_wait3A_415 = tpu.memref_slice %arg4[%mul3A_2, %dma_wait3A_413, %dma_wait3A_414] : memref<6400x128x64xf32, #tpu.memory_space<hbm>> -> memref<4x128x64xf32, #tpu.memory_space<hbm>>
      %dma_wait3A_416 = arith.constant 0 : i32
      %dma_wait3A_417 = arith.constant 0 : i32
      %dma_wait3A_418 = tpu.memref_slice %arg4[%mul3A_2, %dma_wait3A_416, %dma_wait3A_417] : memref<6400x128x64xf32, #tpu.memory_space<hbm>> -> memref<4x128x64xf32, #tpu.memory_space<hbm>>
      tpu.wait_dma2 semaphore(%arg11 : memref<!tpu.dma_semaphore, #tpu.memory_space<semaphore_mem>>) src(%arg7 : memref<4x128x64xf32, #tpu.memory_space<vmem>>) dst(%dma_wait3A_418 : memref<4x128x64xf32, #tpu.memory_space<hbm>>)
      %add3A_419 = arith.constant 1 : i32
      %add3A_420 = arith.addi %mul3A_228, %add3A_419 : i32
      %add3A_421 = arith.constant 2 : i32
      %add3A_422 = arith.addi %add3A_420, %add3A_421 : i32
      %mul3A_423 = arith.constant 4 : i32
      %mul3A_424 = arith.muli %add3A_422, %mul3A_423 : i32
      %add3A_425 = arith.constant 0 : i32
      %add3A_426 = arith.addi %mul3A_424, %add3A_425 : i32
      %dma_start3A_427 = arith.constant 0 : i32
      %dma_start3A_428 = arith.constant 0 : i32
      %dma_start3A_429 = arith.constant 0 : i32
      %dma_start3A_430 = tpu.memref_slice %arg7[%dma_start3A_427, %dma_start3A_428, %dma_start3A_429] : memref<4x128x64xf32, #tpu.memory_space<vmem>> -> memref<1x128x64xf32, #tpu.memory_space<vmem>>
      %dma_start3A_431 = tpu.memref_squeeze %dma_start3A_430 : memref<1x128x64xf32, #tpu.memory_space<vmem>> -> memref<128x64xf32, #tpu.memory_space<vmem>>
      %dma_start3A_432 = arith.constant 0 : i32
      %dma_start3A_433 = tpu.memref_slice %arg5[%add3A_426, %dma_start3A_432] : memref<200x128xi32, #tpu.memory_space<vmem>> -> memref<1x128xi32, #tpu.memory_space<vmem>>
      %dma_start3A_434 = tpu.memref_squeeze %dma_start3A_433 : memref<1x128xi32, #tpu.memory_space<vmem>> -> memref<128xi32, #tpu.memory_space<vmem>>
      %dma_start3A_435 = arith.constant 0 : i32
      %dma_start3A_436 = arith.constant 0 : i32
      %dma_start3A_437 = tpu.memref_slice %arg2[%dma_start3A_435, %dma_start3A_436] : memref<1000000x64xf32, #tpu.memory_space<hbm>> -> memref<1000000x64xf32, #tpu.memory_space<hbm>>
      tpu.enqueue_indirect_dma source(%dma_start3A_437 : memref<1000000x64xf32, #tpu.memory_space<hbm>>) target(%dma_start3A_431 : memref<128x64xf32, #tpu.memory_space<vmem>>) offsets(%dma_start3A_434 : memref<128xi32, #tpu.memory_space<vmem>>) semaphore(%arg9 : memref<!tpu.dma_semaphore, #tpu.memory_space<semaphore_mem>>)
      %mul3A_438 = arith.constant 4 : i32
      %mul3A_439 = arith.muli %add3A_422, %mul3A_438 : i32
      %add3A_440 = arith.constant 1 : i32
      %add3A_441 = arith.addi %mul3A_439, %add3A_440 : i32
      %dma_start3A_442 = arith.constant 1 : i32
      %dma_start3A_443 = arith.constant 0 : i32
      %dma_start3A_444 = arith.constant 0 : i32
      %dma_start3A_445 = tpu.memref_slice %arg7[%dma_start3A_442, %dma_start3A_443, %dma_start3A_444] : memref<4x128x64xf32, #tpu.memory_space<vmem>> -> memref<1x128x64xf32, #tpu.memory_space<vmem>>
      %dma_start3A_446 = tpu.memref_squeeze %dma_start3A_445 : memref<1x128x64xf32, #tpu.memory_space<vmem>> -> memref<128x64xf32, #tpu.memory_space<vmem>>
      %dma_start3A_447 = arith.constant 0 : i32
      %dma_start3A_448 = tpu.memref_slice %arg5[%add3A_441, %dma_start3A_447] : memref<200x128xi32, #tpu.memory_space<vmem>> -> memref<1x128xi32, #tpu.memory_space<vmem>>
      %dma_start3A_449 = tpu.memref_squeeze %dma_start3A_448 : memref<1x128xi32, #tpu.memory_space<vmem>> -> memref<128xi32, #tpu.memory_space<vmem>>
      %dma_start3A_450 = arith.constant 0 : i32
      %dma_start3A_451 = arith.constant 0 : i32
      %dma_start3A_452 = tpu.memref_slice %arg2[%dma_start3A_450, %dma_start3A_451] : memref<1000000x64xf32, #tpu.memory_space<hbm>> -> memref<1000000x64xf32, #tpu.memory_space<hbm>>
      tpu.enqueue_indirect_dma source(%dma_start3A_452 : memref<1000000x64xf32, #tpu.memory_space<hbm>>) target(%dma_start3A_446 : memref<128x64xf32, #tpu.memory_space<vmem>>) offsets(%dma_start3A_449 : memref<128xi32, #tpu.memory_space<vmem>>) semaphore(%arg9 : memref<!tpu.dma_semaphore, #tpu.memory_space<semaphore_mem>>)
      %mul3A_453 = arith.constant 4 : i32
      %mul3A_454 = arith.muli %add3A_422, %mul3A_453 : i32
      %add3A_455 = arith.constant 2 : i32
      %add3A_456 = arith.addi %mul3A_454, %add3A_455 : i32
      %dma_start3A_457 = arith.constant 2 : i32
      %dma_start3A_458 = arith.constant 0 : i32
      %dma_start3A_459 = arith.constant 0 : i32
      %dma_start3A_460 = tpu.memref_slice %arg7[%dma_start3A_457, %dma_start3A_458, %dma_start3A_459] : memref<4x128x64xf32, #tpu.memory_space<vmem>> -> memref<1x128x64xf32, #tpu.memory_space<vmem>>
      %dma_start3A_461 = tpu.memref_squeeze %dma_start3A_460 : memref<1x128x64xf32, #tpu.memory_space<vmem>> -> memref<128x64xf32, #tpu.memory_space<vmem>>
      %dma_start3A_462 = arith.constant 0 : i32
      %dma_start3A_463 = tpu.memref_slice %arg5[%add3A_456, %dma_start3A_462] : memref<200x128xi32, #tpu.memory_space<vmem>> -> memref<1x128xi32, #tpu.memory_space<vmem>>
      %dma_start3A_464 = tpu.memref_squeeze %dma_start3A_463 : memref<1x128xi32, #tpu.memory_space<vmem>> -> memref<128xi32, #tpu.memory_space<vmem>>
      %dma_start3A_465 = arith.constant 0 : i32
      %dma_start3A_466 = arith.constant 0 : i32
      %dma_start3A_467 = tpu.memref_slice %arg2[%dma_start3A_465, %dma_start3A_466] : memref<1000000x64xf32, #tpu.memory_space<hbm>> -> memref<1000000x64xf32, #tpu.memory_space<hbm>>
      tpu.enqueue_indirect_dma source(%dma_start3A_467 : memref<1000000x64xf32, #tpu.memory_space<hbm>>) target(%dma_start3A_461 : memref<128x64xf32, #tpu.memory_space<vmem>>) offsets(%dma_start3A_464 : memref<128xi32, #tpu.memory_space<vmem>>) semaphore(%arg9 : memref<!tpu.dma_semaphore, #tpu.memory_space<semaphore_mem>>)
      %mul3A_468 = arith.constant 4 : i32
      %mul3A_469 = arith.muli %add3A_422, %mul3A_468 : i32
      %add3A_470 = arith.constant 3 : i32
      %add3A_471 = arith.addi %mul3A_469, %add3A_470 : i32
      %dma_start3A_472 = arith.constant 3 : i32
      %dma_start3A_473 = arith.constant 0 : i32
      %dma_start3A_474 = arith.constant 0 : i32
      %dma_start3A_475 = tpu.memref_slice %arg7[%dma_start3A_472, %dma_start3A_473, %dma_start3A_474] : memref<4x128x64xf32, #tpu.memory_space<vmem>> -> memref<1x128x64xf32, #tpu.memory_space<vmem>>
      %dma_start3A_476 = tpu.memref_squeeze %dma_start3A_475 : memref<1x128x64xf32, #tpu.memory_space<vmem>> -> memref<128x64xf32, #tpu.memory_space<vmem>>
      %dma_start3A_477 = arith.constant 0 : i32
      %dma_start3A_478 = tpu.memref_slice %arg5[%add3A_471, %dma_start3A_477] : memref<200x128xi32, #tpu.memory_space<vmem>> -> memref<1x128xi32, #tpu.memory_space<vmem>>
      %dma_start3A_479 = tpu.memref_squeeze %dma_start3A_478 : memref<1x128xi32, #tpu.memory_space<vmem>> -> memref<128xi32, #tpu.memory_space<vmem>>
      %dma_start3A_480 = arith.constant 0 : i32
      %dma_start3A_481 = arith.constant 0 : i32
      %dma_start3A_482 = tpu.memref_slice %arg2[%dma_start3A_480, %dma_start3A_481] : memref<1000000x64xf32, #tpu.memory_space<hbm>> -> memref<1000000x64xf32, #tpu.memory_space<hbm>>
      tpu.enqueue_indirect_dma source(%dma_start3A_482 : memref<1000000x64xf32, #tpu.memory_space<hbm>>) target(%dma_start3A_476 : memref<128x64xf32, #tpu.memory_space<vmem>>) offsets(%dma_start3A_479 : memref<128xi32, #tpu.memory_space<vmem>>) semaphore(%arg9 : memref<!tpu.dma_semaphore, #tpu.memory_space<semaphore_mem>>)
    }
    %scan3A_102 = arith.constant 24 : i32
    %dma_wait3A = arith.constant 0 : i32
    %dma_wait3A_103 = arith.constant 0 : i32
    %dma_wait3A_104 = arith.constant 0 : i32
    %dma_wait3A_105 = arith.constant 0 : i32
    %dma_wait3A_106 = tpu.memref_slice %arg6[%dma_wait3A_103, %dma_wait3A_104, %dma_wait3A_105] : memref<4x128x64xf32, #tpu.memory_space<vmem>> -> memref<1x128x64xf32, #tpu.memory_space<vmem>>
    %dma_wait3A_107 = tpu.memref_squeeze %dma_wait3A_106 : memref<1x128x64xf32, #tpu.memory_space<vmem>> -> memref<128x64xf32, #tpu.memory_space<vmem>>
    %dma_wait3A_108 = arith.constant 0 : i32
    %dma_wait3A_109 = tpu.memref_slice %arg5[%dma_wait3A, %dma_wait3A_108] : memref<200x128xi32, #tpu.memory_space<vmem>> -> memref<1x128xi32, #tpu.memory_space<vmem>>
    %dma_wait3A_110 = tpu.memref_squeeze %dma_wait3A_109 : memref<1x128xi32, #tpu.memory_space<vmem>> -> memref<128xi32, #tpu.memory_space<vmem>>
    %dma_wait3A_111 = arith.constant 0 : i32
    %dma_wait3A_112 = arith.constant 0 : i32
    %dma_wait3A_113 = tpu.memref_slice %arg2[%dma_wait3A_111, %dma_wait3A_112] : memref<1000000x64xf32, #tpu.memory_space<hbm>> -> memref<1000000x64xf32, #tpu.memory_space<hbm>>
    tpu.wait_indirect_dma semaphore(%arg8 : memref<!tpu.dma_semaphore, #tpu.memory_space<semaphore_mem>>) src(%dma_wait3A_113 : memref<1000000x64xf32, #tpu.memory_space<hbm>>) dst(%dma_wait3A_107 : memref<128x64xf32, #tpu.memory_space<vmem>>)
    %dma_wait3A_114 = arith.constant 1 : i32
    %dma_wait3A_115 = arith.constant 1 : i32
    %dma_wait3A_116 = arith.constant 0 : i32
    %dma_wait3A_117 = arith.constant 0 : i32
    %dma_wait3A_118 = tpu.memref_slice %arg6[%dma_wait3A_115, %dma_wait3A_116, %dma_wait3A_117] : memref<4x128x64xf32, #tpu.memory_space<vmem>> -> memref<1x128x64xf32, #tpu.memory_space<vmem>>
    %dma_wait3A_119 = tpu.memref_squeeze %dma_wait3A_118 : memref<1x128x64xf32, #tpu.memory_space<vmem>> -> memref<128x64xf32, #tpu.memory_space<vmem>>
    %dma_wait3A_120 = arith.constant 0 : i32
    %dma_wait3A_121 = tpu.memref_slice %arg5[%dma_wait3A_114, %dma_wait3A_120] : memref<200x128xi32, #tpu.memory_space<vmem>> -> memref<1x128xi32, #tpu.memory_space<vmem>>
    %dma_wait3A_122 = tpu.memref_squeeze %dma_wait3A_121 : memref<1x128xi32, #tpu.memory_space<vmem>> -> memref<128xi32, #tpu.memory_space<vmem>>
    %dma_wait3A_123 = arith.constant 0 : i32
    %dma_wait3A_124 = arith.constant 0 : i32
    %dma_wait3A_125 = tpu.memref_slice %arg2[%dma_wait3A_123, %dma_wait3A_124] : memref<1000000x64xf32, #tpu.memory_space<hbm>> -> memref<1000000x64xf32, #tpu.memory_space<hbm>>
    tpu.wait_indirect_dma semaphore(%arg8 : memref<!tpu.dma_semaphore, #tpu.memory_space<semaphore_mem>>) src(%dma_wait3A_125 : memref<1000000x64xf32, #tpu.memory_space<hbm>>) dst(%dma_wait3A_119 : memref<128x64xf32, #tpu.memory_space<vmem>>)
    %dma_wait3A_126 = arith.constant 2 : i32
    %dma_wait3A_127 = arith.constant 2 : i32
    %dma_wait3A_128 = arith.constant 0 : i32
    %dma_wait3A_129 = arith.constant 0 : i32
    %dma_wait3A_130 = tpu.memref_slice %arg6[%dma_wait3A_127, %dma_wait3A_128, %dma_wait3A_129] : memref<4x128x64xf32, #tpu.memory_space<vmem>> -> memref<1x128x64xf32, #tpu.memory_space<vmem>>
    %dma_wait3A_131 = tpu.memref_squeeze %dma_wait3A_130 : memref<1x128x64xf32, #tpu.memory_space<vmem>> -> memref<128x64xf32, #tpu.memory_space<vmem>>
    %dma_wait3A_132 = arith.constant 0 : i32
    %dma_wait3A_133 = tpu.memref_slice %arg5[%dma_wait3A_126, %dma_wait3A_132] : memref<200x128xi32, #tpu.memory_space<vmem>> -> memref<1x128xi32, #tpu.memory_space<vmem>>
    %dma_wait3A_134 = tpu.memref_squeeze %dma_wait3A_133 : memref<1x128xi32, #tpu.memory_space<vmem>> -> memref<128xi32, #tpu.memory_space<vmem>>
    %dma_wait3A_135 = arith.constant 0 : i32
    %dma_wait3A_136 = arith.constant 0 : i32
    %dma_wait3A_137 = tpu.memref_slice %arg2[%dma_wait3A_135, %dma_wait3A_136] : memref<1000000x64xf32, #tpu.memory_space<hbm>> -> memref<1000000x64xf32, #tpu.memory_space<hbm>>
    tpu.wait_indirect_dma semaphore(%arg8 : memref<!tpu.dma_semaphore, #tpu.memory_space<semaphore_mem>>) src(%dma_wait3A_137 : memref<1000000x64xf32, #tpu.memory_space<hbm>>) dst(%dma_wait3A_131 : memref<128x64xf32, #tpu.memory_space<vmem>>)
    %dma_wait3A_138 = arith.constant 3 : i32
    %dma_wait3A_139 = arith.constant 3 : i32
    %dma_wait3A_140 = arith.constant 0 : i32
    %dma_wait3A_141 = arith.constant 0 : i32
    %dma_wait3A_142 = tpu.memref_slice %arg6[%dma_wait3A_139, %dma_wait3A_140, %dma_wait3A_141] : memref<4x128x64xf32, #tpu.memory_space<vmem>> -> memref<1x128x64xf32, #tpu.memory_space<vmem>>
    %dma_wait3A_143 = tpu.memref_squeeze %dma_wait3A_142 : memref<1x128x64xf32, #tpu.memory_space<vmem>> -> memref<128x64xf32, #tpu.memory_space<vmem>>
    %dma_wait3A_144 = arith.constant 0 : i32
    %dma_wait3A_145 = tpu.memref_slice %arg5[%dma_wait3A_138, %dma_wait3A_144] : memref<200x128xi32, #tpu.memory_space<vmem>> -> memref<1x128xi32, #tpu.memory_space<vmem>>
    %dma_wait3A_146 = tpu.memref_squeeze %dma_wait3A_145 : memref<1x128xi32, #tpu.memory_space<vmem>> -> memref<128xi32, #tpu.memory_space<vmem>>
    %dma_wait3A_147 = arith.constant 0 : i32
    %dma_wait3A_148 = arith.constant 0 : i32
    %dma_wait3A_149 = tpu.memref_slice %arg2[%dma_wait3A_147, %dma_wait3A_148] : memref<1000000x64xf32, #tpu.memory_space<hbm>> -> memref<1000000x64xf32, #tpu.memory_space<hbm>>
    tpu.wait_indirect_dma semaphore(%arg8 : memref<!tpu.dma_semaphore, #tpu.memory_space<semaphore_mem>>) src(%dma_wait3A_149 : memref<1000000x64xf32, #tpu.memory_space<hbm>>) dst(%dma_wait3A_143 : memref<128x64xf32, #tpu.memory_space<vmem>>)
    %add3A_150 = arith.constant 192 : i32
    %add3A_151 = arith.addi %mul3A_2, %add3A_150 : i32
    %dma_start3A_152 = arith.constant 0 : i32
    %dma_start3A_153 = arith.constant 0 : i32
    %dma_start3A_154 = tpu.memref_slice %arg4[%add3A_151, %dma_start3A_152, %dma_start3A_153] : memref<6400x128x64xf32, #tpu.memory_space<hbm>> -> memref<4x128x64xf32, #tpu.memory_space<hbm>>
    %dma_start3A_155 = arith.constant 0 : i32
    %dma_start3A_156 = arith.constant 0 : i32
    %dma_start3A_157 = tpu.memref_slice %arg4[%add3A_151, %dma_start3A_155, %dma_start3A_156] : memref<6400x128x64xf32, #tpu.memory_space<hbm>> -> memref<4x128x64xf32, #tpu.memory_space<hbm>>
    tpu.enqueue_dma source(%arg6 : memref<4x128x64xf32, #tpu.memory_space<vmem>>) target(%dma_start3A_157 : memref<4x128x64xf32, #tpu.memory_space<hbm>>) target_semaphore(%arg10 : memref<!tpu.dma_semaphore, #tpu.memory_space<semaphore_mem>>)
    %dma_wait3A_158 = arith.constant 0 : i32
    %dma_wait3A_159 = arith.constant 0 : i32
    %dma_wait3A_160 = arith.constant 0 : i32
    %dma_wait3A_161 = arith.constant 0 : i32
    %dma_wait3A_162 = tpu.memref_slice %arg7[%dma_wait3A_159, %dma_wait3A_160, %dma_wait3A_161] : memref<4x128x64xf32, #tpu.memory_space<vmem>> -> memref<1x128x64xf32, #tpu.memory_space<vmem>>
    %dma_wait3A_163 = tpu.memref_squeeze %dma_wait3A_162 : memref<1x128x64xf32, #tpu.memory_space<vmem>> -> memref<128x64xf32, #tpu.memory_space<vmem>>
    %dma_wait3A_164 = arith.constant 0 : i32
    %dma_wait3A_165 = tpu.memref_slice %arg5[%dma_wait3A_158, %dma_wait3A_164] : memref<200x128xi32, #tpu.memory_space<vmem>> -> memref<1x128xi32, #tpu.memory_space<vmem>>
    %dma_wait3A_166 = tpu.memref_squeeze %dma_wait3A_165 : memref<1x128xi32, #tpu.memory_space<vmem>> -> memref<128xi32, #tpu.memory_space<vmem>>
    %dma_wait3A_167 = arith.constant 0 : i32
    %dma_wait3A_168 = arith.constant 0 : i32
    %dma_wait3A_169 = tpu.memref_slice %arg2[%dma_wait3A_167, %dma_wait3A_168] : memref<1000000x64xf32, #tpu.memory_space<hbm>> -> memref<1000000x64xf32, #tpu.memory_space<hbm>>
    tpu.wait_indirect_dma semaphore(%arg9 : memref<!tpu.dma_semaphore, #tpu.memory_space<semaphore_mem>>) src(%dma_wait3A_169 : memref<1000000x64xf32, #tpu.memory_space<hbm>>) dst(%dma_wait3A_163 : memref<128x64xf32, #tpu.memory_space<vmem>>)
    %dma_wait3A_170 = arith.constant 1 : i32
    %dma_wait3A_171 = arith.constant 1 : i32
    %dma_wait3A_172 = arith.constant 0 : i32
    %dma_wait3A_173 = arith.constant 0 : i32
    %dma_wait3A_174 = tpu.memref_slice %arg7[%dma_wait3A_171, %dma_wait3A_172, %dma_wait3A_173] : memref<4x128x64xf32, #tpu.memory_space<vmem>> -> memref<1x128x64xf32, #tpu.memory_space<vmem>>
    %dma_wait3A_175 = tpu.memref_squeeze %dma_wait3A_174 : memref<1x128x64xf32, #tpu.memory_space<vmem>> -> memref<128x64xf32, #tpu.memory_space<vmem>>
    %dma_wait3A_176 = arith.constant 0 : i32
    %dma_wait3A_177 = tpu.memref_slice %arg5[%dma_wait3A_170, %dma_wait3A_176] : memref<200x128xi32, #tpu.memory_space<vmem>> -> memref<1x128xi32, #tpu.memory_space<vmem>>
    %dma_wait3A_178 = tpu.memref_squeeze %dma_wait3A_177 : memref<1x128xi32, #tpu.memory_space<vmem>> -> memref<128xi32, #tpu.memory_space<vmem>>
    %dma_wait3A_179 = arith.constant 0 : i32
    %dma_wait3A_180 = arith.constant 0 : i32
    %dma_wait3A_181 = tpu.memref_slice %arg2[%dma_wait3A_179, %dma_wait3A_180] : memref<1000000x64xf32, #tpu.memory_space<hbm>> -> memref<1000000x64xf32, #tpu.memory_space<hbm>>
    tpu.wait_indirect_dma semaphore(%arg9 : memref<!tpu.dma_semaphore, #tpu.memory_space<semaphore_mem>>) src(%dma_wait3A_181 : memref<1000000x64xf32, #tpu.memory_space<hbm>>) dst(%dma_wait3A_175 : memref<128x64xf32, #tpu.memory_space<vmem>>)
    %dma_wait3A_182 = arith.constant 2 : i32
    %dma_wait3A_183 = arith.constant 2 : i32
    %dma_wait3A_184 = arith.constant 0 : i32
    %dma_wait3A_185 = arith.constant 0 : i32
    %dma_wait3A_186 = tpu.memref_slice %arg7[%dma_wait3A_183, %dma_wait3A_184, %dma_wait3A_185] : memref<4x128x64xf32, #tpu.memory_space<vmem>> -> memref<1x128x64xf32, #tpu.memory_space<vmem>>
    %dma_wait3A_187 = tpu.memref_squeeze %dma_wait3A_186 : memref<1x128x64xf32, #tpu.memory_space<vmem>> -> memref<128x64xf32, #tpu.memory_space<vmem>>
    %dma_wait3A_188 = arith.constant 0 : i32
    %dma_wait3A_189 = tpu.memref_slice %arg5[%dma_wait3A_182, %dma_wait3A_188] : memref<200x128xi32, #tpu.memory_space<vmem>> -> memref<1x128xi32, #tpu.memory_space<vmem>>
    %dma_wait3A_190 = tpu.memref_squeeze %dma_wait3A_189 : memref<1x128xi32, #tpu.memory_space<vmem>> -> memref<128xi32, #tpu.memory_space<vmem>>
    %dma_wait3A_191 = arith.constant 0 : i32
    %dma_wait3A_192 = arith.constant 0 : i32
    %dma_wait3A_193 = tpu.memref_slice %arg2[%dma_wait3A_191, %dma_wait3A_192] : memref<1000000x64xf32, #tpu.memory_space<hbm>> -> memref<1000000x64xf32, #tpu.memory_space<hbm>>
    tpu.wait_indirect_dma semaphore(%arg9 : memref<!tpu.dma_semaphore, #tpu.memory_space<semaphore_mem>>) src(%dma_wait3A_193 : memref<1000000x64xf32, #tpu.memory_space<hbm>>) dst(%dma_wait3A_187 : memref<128x64xf32, #tpu.memory_space<vmem>>)
    %dma_wait3A_194 = arith.constant 3 : i32
    %dma_wait3A_195 = arith.constant 3 : i32
    %dma_wait3A_196 = arith.constant 0 : i32
    %dma_wait3A_197 = arith.constant 0 : i32
    %dma_wait3A_198 = tpu.memref_slice %arg7[%dma_wait3A_195, %dma_wait3A_196, %dma_wait3A_197] : memref<4x128x64xf32, #tpu.memory_space<vmem>> -> memref<1x128x64xf32, #tpu.memory_space<vmem>>
    %dma_wait3A_199 = tpu.memref_squeeze %dma_wait3A_198 : memref<1x128x64xf32, #tpu.memory_space<vmem>> -> memref<128x64xf32, #tpu.memory_space<vmem>>
    %dma_wait3A_200 = arith.constant 0 : i32
    %dma_wait3A_201 = tpu.memref_slice %arg5[%dma_wait3A_194, %dma_wait3A_200] : memref<200x128xi32, #tpu.memory_space<vmem>> -> memref<1x128xi32, #tpu.memory_space<vmem>>
    %dma_wait3A_202 = tpu.memref_squeeze %dma_wait3A_201 : memref<1x128xi32, #tpu.memory_space<vmem>> -> memref<128xi32, #tpu.memory_space<vmem>>
    %dma_wait3A_203 = arith.constant 0 : i32
    %dma_wait3A_204 = arith.constant 0 : i32
    %dma_wait3A_205 = tpu.memref_slice %arg2[%dma_wait3A_203, %dma_wait3A_204] : memref<1000000x64xf32, #tpu.memory_space<hbm>> -> memref<1000000x64xf32, #tpu.memory_space<hbm>>
    tpu.wait_indirect_dma semaphore(%arg9 : memref<!tpu.dma_semaphore, #tpu.memory_space<semaphore_mem>>) src(%dma_wait3A_205 : memref<1000000x64xf32, #tpu.memory_space<hbm>>) dst(%dma_wait3A_199 : memref<128x64xf32, #tpu.memory_space<vmem>>)
    %add3A_206 = arith.constant 196 : i32
    %add3A_207 = arith.addi %mul3A_2, %add3A_206 : i32
    %dma_start3A_208 = arith.constant 0 : i32
    %dma_start3A_209 = arith.constant 0 : i32
    %dma_start3A_210 = tpu.memref_slice %arg4[%add3A_207, %dma_start3A_208, %dma_start3A_209] : memref<6400x128x64xf32, #tpu.memory_space<hbm>> -> memref<4x128x64xf32, #tpu.memory_space<hbm>>
    %dma_start3A_211 = arith.constant 0 : i32
    %dma_start3A_212 = arith.constant 0 : i32
    %dma_start3A_213 = tpu.memref_slice %arg4[%add3A_207, %dma_start3A_211, %dma_start3A_212] : memref<6400x128x64xf32, #tpu.memory_space<hbm>> -> memref<4x128x64xf32, #tpu.memory_space<hbm>>
    tpu.enqueue_dma source(%arg7 : memref<4x128x64xf32, #tpu.memory_space<vmem>>) target(%dma_start3A_213 : memref<4x128x64xf32, #tpu.memory_space<hbm>>) target_semaphore(%arg11 : memref<!tpu.dma_semaphore, #tpu.memory_space<semaphore_mem>>)
    %dma_wait3A_214 = arith.constant 0 : i32
    %dma_wait3A_215 = arith.constant 0 : i32
    %dma_wait3A_216 = tpu.memref_slice %arg4[%mul3A_2, %dma_wait3A_214, %dma_wait3A_215] : memref<6400x128x64xf32, #tpu.memory_space<hbm>> -> memref<4x128x64xf32, #tpu.memory_space<hbm>>
    %dma_wait3A_217 = arith.constant 0 : i32
    %dma_wait3A_218 = arith.constant 0 : i32
    %dma_wait3A_219 = tpu.memref_slice %arg4[%mul3A_2, %dma_wait3A_217, %dma_wait3A_218] : memref<6400x128x64xf32, #tpu.memory_space<hbm>> -> memref<4x128x64xf32, #tpu.memory_space<hbm>>
    tpu.wait_dma2 semaphore(%arg10 : memref<!tpu.dma_semaphore, #tpu.memory_space<semaphore_mem>>) src(%arg6 : memref<4x128x64xf32, #tpu.memory_space<vmem>>) dst(%dma_wait3A_219 : memref<4x128x64xf32, #tpu.memory_space<hbm>>)
    %dma_wait3A_220 = arith.constant 0 : i32
    %dma_wait3A_221 = arith.constant 0 : i32
    %dma_wait3A_222 = tpu.memref_slice %arg4[%mul3A_2, %dma_wait3A_220, %dma_wait3A_221] : memref<6400x128x64xf32, #tpu.memory_space<hbm>> -> memref<4x128x64xf32, #tpu.memory_space<hbm>>
    %dma_wait3A_223 = arith.constant 0 : i32
    %dma_wait3A_224 = arith.constant 0 : i32
    %dma_wait3A_225 = tpu.memref_slice %arg4[%mul3A_2, %dma_wait3A_223, %dma_wait3A_224] : memref<6400x128x64xf32, #tpu.memory_space<hbm>> -> memref<4x128x64xf32, #tpu.memory_space<hbm>>
    tpu.wait_dma2 semaphore(%arg11 : memref<!tpu.dma_semaphore, #tpu.memory_space<semaphore_mem>>) src(%arg7 : memref<4x128x64xf32, #tpu.memory_space<vmem>>) dst(%dma_wait3A_225 : memref<4x128x64xf32, #tpu.memory_space<hbm>>)
    return
  }
}

</mosaic_0001>

<sc_bundles>
// kernel: _gather_rows.3.cloned.1.call-start
scs
__scs_entry_jumppad:
0x0: {  	(pc) =	sbr.rel $0x88, $3  }
0x1: {  	(tag) =	ssettag $0x0;
	lr =	simm.s32 $0x1  }
0x2: {  	[smem:$0x3F9F] =	sst lr;
	_ =	strace $0xD0000000  }
0x3: {  	_ = 	snop  }
0x4: {  	_ = 	snop  }
0x5: {  	_ = 	snop  }
0x6: {  	_ = 	snop  }
0x7: {  	_ = 	snop  }
__scs_overlays_trampoline_lowered:
0x8: {  	[smem:$0x3FAE] =	sst s0  }
0x9: {  	[smem:$0x3FAF] =	sst s1  }
0xa: {  	[smem:$0x3FB0] =	sst s2  }
0xb: {  	[smem:$0x3FB1] =	sst s3  }
0xc: {  	[smem:$0x3FB2] =	sst s4  }
0xd: {  	[smem:$0x3FB3] =	sst s5  }
0xe: {  	[smem:$0x3FB4] =	sst s6  }
0xf: {  	[smem:$0x3FB5] =	sst s7  }
0x10: {  	[smem:$0x3FB6] =	sst s8  }
0x11: {  	[smem:$0x3FB7] =	sst s9;
	s0 =	simm.s32 @!p0 $0x0  }
0x12: {  	s1 =	sld [smem:$0x3F9D];
	s0 =	simm.s32 @p0 $0x1  }
0x13: {  	[smem:$0x3FB8] =	sst s0;
	s0 =	simm.s32 @!p1 $0x0  }
0x14: {  	s2 =	sld [smem:$0x3F9C];
	s0 =	simm.s32 @p1 $0x1  }
0x15: {  	[smem:$0x3FB9] =	sst s0;
	s0 =	simm.s32 @!p2 $0x0  }
0x16: {  	s3 =	sld [smem:$0x3FDB];
	s0 =	simm.s32 @p2 $0x1  }
0x17: {  	s4 =	simm.s32 $0x1BF5;
	[smem:$0x3FBB] =	sst s0  }
0x18: {  	s0 =	sld [smem:$0x3F9E];
	_ =	swait.ge [sflag:s4], $0x0  }
0x19: {  	s7 =	sld [smem:$0x3F9F]  }
0x1a: {  	s8 =	sadd.s32 $0xFFFFE003, lr  }
0x1b: {  	s9 =	sadd.s32 $0xFFFFFEF7, lr;
	s5 =	simm.s32 $0xFFFFFFFF;
	p2 =	slt.u32 s8, $0xFFFFF086  }
0x1c: {  	p1 =	slt.u32 s9, $0xF7A;
	s5 =	simm.s32 @!p2 $0x0  }
0x1d: {  	s5 =	simm.s32 @p1 $0x1;
	p0 =	seq.s32 s7, s2  }
0x1e: {  	s7 =	smul.u32 @!p0 $0xF7A, s2;
	p2 =	seq.s32 @!p0 s5, $0x0  }
0x1f: {  	s9 =	smul.u32 $0xF7A, s1;
	s8 =	simm.s32 @!p0 $0x1BF5;
	p2 =	por !p2, p0  }
0x20: {  	[sflag:s8] =	ssyncset.s32 @!p0 $0xFFFFF086;
	s6 =	sadd.s32 @!p0 s3, s7;
	s7 =	simm.s32 @!p0 $0x108  }
0x21: {  	s3 =	sadd.s32 s3, s9;
	s6 =	sadd.s32 @!p0 $0x88, s6;
	s7 =	simm.s32 @p2 $0x1082  }
0x22: {  	[simem:s7], [sflag:s8] =	dma.local @!p0 [hbm:s6], $0xF7A  }
0x23: {  	s9 =	sor.u32 $0xD0000000, s2;
	s6 =	simm.s32 $0x108;
	_ =	swait.ge @!p0 [sflag:s8], $0x0  }
0x24: {  	s3 =	sadd.s32 $0x88, s3;
	s6 =	simm.s32 @!p1 $0x1082;
	[sflag:s4] =	ssyncset.s32 $0xFFFFF086  }
0x25: {  	[simem:s6], [sflag:s4] =	dma.local [hbm:s3], $0xF7A  }
0x26: {  	[smem:$0x3F9F] =	sst s1;
	(tag) =	ssettag s2;
	_ =	strace s9  }
0x27: {  	s1 =	sld [smem:$0x3FAF]  }
0x28: {  	s2 =	sld [smem:$0x3FB0]  }
0x29: {  	s4 =	sld [smem:$0x3FB2]  }
0x2a: {  	p0 =	seq.s32 s5, $0x0;
	s5 =	sld [smem:$0x3FB3]  }
0x2b: {  	s6 =	sld [smem:$0x3FB4]  }
0x2c: {  	s7 =	sld [smem:$0x3FB5]  }
0x2d: {  	s3 =	simm.s32 $0x108;
	s8 =	sld [smem:$0x3FB6]  }
0x2e: {  	s3 =	simm.s32 @!p0 $0x1082;
	s9 =	sld [smem:$0x3FB7]  }
0x2f: {  	lr =	sadd.s32 s0, s3;
	s0 =	sld [smem:$0x3FAE]  }
0x30: {  	s3 =	sld [smem:$0x3FB1]  }
0x31: {  	[smem:$0x3FBA] =	sst s10  }
0x32: {  	s10 =	sld [smem:$0x3FB8];
	_ =	sdelay $0x3  }
0x33: {  	p0 =	seq.s32 s10, $0x1;
	s10 =	sld [smem:$0x3FBA];
	_ =	sdelay $0x3  }
0x34: {  	[smem:$0x3FBA] =	sst s10  }
0x35: {  	s10 =	sld [smem:$0x3FB9];
	_ =	sdelay $0x3  }
0x36: {  	p1 =	seq.s32 s10, $0x1;
	s10 =	sld [smem:$0x3FBA];
	_ =	sdelay $0x3  }
0x37: {  	[smem:$0x3FBA] =	sst s10  }
0x38: {  	s10 =	sld [smem:$0x3FBB]  }
0x39: {  	_ = 	snop;
	(pc) =	sbr.ind lr, $3  }
0x3a: {  	_ = 	snop  }
0x3b: {  	_ = 	snop  }
0x3c: {  	p2 =	seq.s32 s10, $0x1;
	s10 =	sld [smem:$0x3FBA]  }
0x3d: {  	_ =	shalt  }
0x3e: {  	_ =	shalt  }
0x3f: {  	_ =	shalt  }
0x40: {  	_ =	shalt  }
0x41: {  	_ =	shalt  }
0x42: {  	_ =	shalt  }
0x43: {  	_ =	shalt  }
0x44: {  	_ =	shalt  }
0x45: {  	_ =	shalt  }
0x46: {  	_ =	shalt  }
0x47: {  	_ =	shalt  }
0x48: {  	_ =	shalt  }
0x49: {  	_ =	shalt  }
0x4a: {  	_ =	shalt  }
0x4b: {  	_ =	shalt  }
0x4c: {  	_ =	shalt  }
0x4d: {  	_ =	shalt  }
0x4e: {  	_ =	shalt  }
0x4f: {  	_ =	shalt  }
0x50: {  	_ =	shalt  }
0x51: {  	_ =	shalt  }
0x52: {  	_ =	shalt  }
0x53: {  	_ =	shalt  }
0x54: {  	_ =	shalt  }
0x55: {  	_ =	shalt  }
0x56: {  	_ =	shalt  }
0x57: {  	_ =	shalt  }
0x58: {  	_ =	shalt  }
0x59: {  	_ =	shalt  }
0x5a: {  	_ =	shalt  }
0x5b: {  	_ =	shalt  }
0x5c: {  	_ =	shalt  }
0x5d: {  	_ =	shalt  }
0x5e: {  	_ =	shalt  }
0x5f: {  	_ =	shalt  }
0x60: {  	_ =	shalt  }
0x61: {  	_ =	shalt  }
0x62: {  	_ =	shalt  }
0x63: {  	_ =	shalt  }
0x64: {  	_ =	shalt  }
0x65: {  	_ =	shalt  }
0x66: {  	_ =	shalt  }
0x67: {  	_ =	shalt  }
0x68: {  	_ =	shalt  }
0x69: {  	_ =	shalt  }
0x6a: {  	_ =	shalt  }
0x6b: {  	_ =	shalt  }
0x6c: {  	_ =	shalt  }
0x6d: {  	_ =	shalt  }
0x6e: {  	_ =	shalt  }
0x6f: {  	_ =	shalt  }
0x70: {  	_ =	shalt  }
0x71: {  	_ =	shalt  }
0x72: {  	_ =	shalt  }
0x73: {  	_ =	shalt  }
0x74: {  	_ =	shalt  }
0x75: {  	_ =	shalt  }
0x76: {  	_ =	shalt  }
0x77: {  	_ =	shalt  }
0x78: {  	_ =	shalt  }
0x79: {  	_ =	shalt  }
0x7a: {  	_ =	shalt  }
0x7b: {  	_ =	shalt  }
0x7c: {  	_ =	shalt  }
0x7d: {  	_ =	shalt  }
0x7e: {  	_ =	shalt  }
0x7f: {  	_ =	shalt  }
0x80: {  	_ =	shalt  }
0x81: {  	_ =	shalt  }
0x82: {  	_ =	shalt  }
0x83: {  	_ =	shalt  }
0x84: {  	_ =	shalt  }
0x85: {  	_ =	shalt  }
0x86: {  	_ =	shalt  }
0x87: {  	_ =	shalt  }
.Lfunc_end0:
.L_simem_size_0:
called_computation.1_lowered:
.L_overlay_start_0:
0x88: {  	s2 =	sld [smem:$0x3FD9]  }
0x89: {  	s3 =	sld [smem:$0x3FFE];
	_ =	sdelay $0x1  }
0x8a: {  	s1 =	srdreg.scid  }
0x8b: {  	s0 =	sand.u32 $0x1, s1  }
0x8c: {  	s17 =	sshll.u32 s0, $0xA;
	s2 =	sadd.s32 s3, s2  }
0x8d: {  	s2 =	sadd.s32 s2, s17  }
0x8e: {  	[smem:$0x3FC6] =	sst s2  }
0x8f: {  	_ = 	snop  }
0x90: {  	s2 =	sld [smem:$0x3FC8]  }
0x91: {  	s18 =	sld [smem:$0x3FD0];
	(tm) =	ssettm $0x1  }
0x92: {  	s4 =	sld [smem:$0x3FFB];
	_ =	sdelay $0x3  }
0x93: {  	_ =	strace s4  }
0x94: {  	s4 =	sld [smem:$0x3FFC];
	_ =	sdelay $0x3  }
0x95: {  	_ =	strace s4  }
0x96: {  	s4 =	sld [smem:$0x3FFD];
	_ =	sdelay $0x3  }
0x97: {  	_ =	strace s4  }
0x98: {  	_ =	strace $0x8FFFFFFF  }
0x99: {  	s19 =	sld [smem:$0x3FDB];
	_ =	sdelay $0x1  }
0x9a: {  	s5 =	simm.s32 $_scs_section_size  }
0x9b: {  	s6 =	simm.s32 $_size__tile_overlayer_lowered;
	s7 =	simm.s32 $_tile_overlayer_lowered  }
0x9c: {  	s22 =	simm.s32 $0x1BFF;
	s21 =	sshll.u32 s7, $0x1;
	s4 =	sadd.s32 s5, s19  }
0x9d: {  	s8 =	simm.s32 $0x0;
	s20 =	sshll.u32 s6, $0x1;
	s6 =	sadd.s32 s21, s4  }
0x9e: {  	[timem:s8], [sflag:s22] =	dma.local [hbm:s6], s20  }
0x9f: {  	_ =	swait.ge [sflag:s22], s20  }
0xa0: {  	s5 =	ssub.s32 $0x0, s20;
	[sflag:s22] =	ssyncset.done $0x0  }
0xa1: {  	[sflag:s22] =	ssyncadd.s32 s5;
	_ =	sdelay $0x1  }
0xa2: {  	s23 =	simm.s32 $0x1B8B  }
0xa3: {  	_ =	swait.ge [sflag:s23], $0x1  }
0xa4: {  	[sflag:s23] =	ssyncset.done $0x0  }
0xa5: {  	s25 =	simm.s32 $0x1B8E;
	s24 =	sld [smem:$0x3FFE];
	[sflag:s23] =	ssyncadd.s32 $0xFFFFFFFF  }
0xa6: {  	s26 =	simm.s32 $execute0_lowered;
	[smem:$0x3FD2] =	sst s25  }
0xa7: {  	s6 =	sshll.u32 s26, $0x1;
	_ =	strace $0x80000046;
	[dreg:$0x1] =	wrdreg $0xFFFFFFFF  }
0xa8: {  	s28 =	simm.s32 $_size_execute0_lowered;
	s4 =	sadd.s32 s4, s6;
	[dreg:$0x0] =	wrdreg $0x0  }
0xa9: {  	s6 =	sshll.u32 s28, $0x1;
	[dreg:$0x2] =	wrdreg s4  }
0xaa: {  	[dreg:$0x3] =	wrdreg s6  }
0xab: {  	[dreg:$0x4] =	wrdreg $0xC0  }
0xac: {  	_ =	task [dreg:s8], $0x5FFFF  }
0xad: {  	[dreg:$0x1] =	wrdreg $0xFFFFFFFF  }
0xae: {  	[dreg:$0x0] =	wrdreg $0x60  }
0xaf: {  	[dreg:$0x2] =	wrdreg s24  }
0xb0: {  	[dreg:$0x3] =	wrdreg s2  }
0xb1: {  	[dreg:$0x4] =	wrdreg s18  }
0xb2: {  	[dreg:$0x5] =	wrdreg $0x9  }
0xb3: {  	_ =	task.clear_ibuf [dreg:s8], $0x6FFFF;
	_ =	strace $0x90000046  }
0xb4: {  	s29 =	simm.s32 $0x9;
	_ =	strace $0x80000048  }
0xb5: {  	_ =	swait.ge [sflag:s29], $0x1  }
0xb6: {  	[sflag:s29] =	ssyncadd.s32 $0xFFFFFFFF  }
0xb7: {  	_ =	strace $0x90000048  }
0xb8: {  	_ =	sfence  }
0xb9: {  	s30 =	sld [smem:$0x0];
	_ =	sdelay $0x2  }
0xba: {  	s31 =	sshll.u32 s1, $0xD;
	s1 =	sshrl.u32 s1, $0x2  }
0xbb: {  	s3 =	sand.u32 $0x4000, s31;
	s1 =	sadd.s32 s1, s30  }
0xbc: {  	s0 =	sor.u32 s3, s0;
	s1 =	sshll.u32 s1, $0x11  }
0xbd: {  	s0 =	sor.u32 s1, s0  }
0xbe: {  	s0 =	sadd.s32 $0x8F2B, s0  }
0xbf: {  	[sflag:s0] =	ssyncadd.remote.s32 $0x1  }
0xc0: {  	_ =	sfence.sel $0xFFFF  }
0xc1: {  	[dreg:$0x0] =	wrdreg $0xFFFFFFFF;
	(pc) =	sbr.abs _section_cstart, $3  }
0xc2: {  	[dreg:$0x1] =	wrdreg $0xFFFFFFFF  }
0xc3: {  	_ =	task.clear_ibuf [dreg:s8], $0x2FFFF;
	_ =	strace $0x9FFFFFFF  }
0xc4: {  	(tm) =	ssettm $0x7FFFFFFF  }
0xc5: {  	_ =	shalt  }
tec
execute0_lowered:
.L_overlay_start_1:
0x0: {  	(tag) =	ssettag $0x1  }
0x1: {  	s0 =	rddreg [dreg:$0x0]  }
0x2: {  	s1 =	srdreg.scid;
	s4 =	rddreg [dreg:$0x1]  }
0x3: {  	s10 =	stileid.u32;
	s9 =	rddreg [dreg:$0x2];
	s11 =	simm.s32 $0x80  }
0x4: {  	s12 =	simm.s32 $0x6400;
	s13 =	simm.s32 $0x8400;
	s15 =	simm.s32 $0xA400  }
0x5: {  	s17 =	simm.s32 $0xC400;
	s19 =	simm.s32 $0xE400;
	s20 =	simm.s32 $0x280  }
0x6: {  	s21 =	simm.s32 $0x10400;
	s22 =	simm.s32 $0x300;
	s23 =	simm.s32 $0x12400  }
0x7: {  	s24 =	simm.s32 $0x380;
	s28 =	simm.s32 $0x3;
	s8 =	smul.u32 $0x64000, s10  }
0x8: {  	s1 =	sand.u32 $0x1, s1;
	s2 =	sshll.u32 s10, $0x1;
	s10 =	smul.u32 $0x320000, s10  }
0x9: {  	s29 =	simm.s32 $0x2;
	s30 =	simm.s32 $0x4;
	s26 =	smul.u32 $0x190000, s1  }
0xa: {  	s3 =	sor.u32 s1, s2;
	s7 =	ssub.s32 $0x2, s1;
	s1 =	smul.u32 $0x32000, s1  }
0xb: {  	s31 =	simm.s32 $0x0;
	s2 =	simm.s32 $0x0;
	s5 =	smul.u32 $0xC80, s3  }
0xc: {  	[smem:$0x7FF] =	sst s2;
	s6 =	smul.u32 $0x190000, s3;
	s3 =	sadd.s32 $0xF42C00, s0  }
0xd: {  	s25 =	sshrl.u32 s7, $0x1;
	s8 =	sadd.s32 s8, s9;
	_ =	strace $0x80000047  }
0xe: {  	s0 =	ssub.s32 s7, s25;
	s7 =	sadd.s32 s26, s10;
	s1 =	sadd.s32 s1, s8  }
0xf: {  	s25 =	simm.s32 $0x14400;
	s26 =	simm.s32 $0x1;
	s6 =	sshrl.u32 s6, $0x3  }
0x10: {  	s4 =	sadd.s32 s4, s5;
	s10 =	sshrl.u32 s7, $0x3;
	s7 =	smax.u32 s0, $0x1  }
0x11: {  	s8 =	sadd.s32 $0x1000, s1;
	s6 =	sadd.s32 s9, s6;
	s9 =	sadd.s32 s10, s9  }
0x12: {  	s10 =	simm.s32 $0x5;
	s5 =	sadd.s32 $0x30000, s6;
	s6 =	sadd.s32 $0x31000, s6  }
.LBB2_1:
0x13: {  	[tilespmem:s2], [sflag:$0x5] =	stream.linear.gather [hbm4b:s4+s2], $0x6400, $0x38;
	[tilespmem:$0x16400] =	vst v63  }
0x14: {  	_ =	swait.ge [sflag:s10], $0x6400  }
0x15: {  	[sflag:s10] =	ssyncset.done $0x0  }
0x16: {  	[sflag:s10] =	ssyncadd.s32 $0xFFFF9C00  }
0x17: {  	[tilespmem:s12], [sflag:$0x1] =	stream.indirect.gather [hbm4b:s3+s11], $0x40, s2, s11, $0xb8;
	[tilespmem:$0x16400] =	vst v63  }
0x18: {  	_ = 	snop  }
0x19: {  	[tilespmem:s13], [sflag:$0x1] =	stream.indirect.gather [hbm4b:s3+s11], $0x40, s11, s11, $0xb8;
	[tilespmem:$0x16400] =	vst v63  }
0x1a: {  	s0 =	simm.s32 $0x100  }
0x1b: {  	[tilespmem:s15], [sflag:$0x1] =	stream.indirect.gather [hbm4b:s3+s11], $0x40, s0, s11, $0xb8;
	[tilespmem:$0x16400] =	vst v63  }
0x1c: {  	s18 =	simm.s32 $0x180  }
0x1d: {  	[tilespmem:s17], [sflag:$0x1] =	stream.indirect.gather [hbm4b:s3+s11], $0x40, s18, s11, $0xb8;
	[tilespmem:$0x16400] =	vst v63  }
0x1e: {  	s1 =	simm.s32 $0x200  }
0x1f: {  	[tilespmem:s19], [sflag:$0x2] =	stream.indirect.gather [hbm4b:s3+s11], $0x40, s1, s11, $0xb8;
	[tilespmem:$0x16400] =	vst v63  }
0x20: {  	_ = 	snop  }
0x21: {  	[tilespmem:s21], [sflag:$0x2] =	stream.indirect.gather [hbm4b:s3+s11], $0x40, s20, s11, $0xb8;
	[tilespmem:$0x16400] =	vst v63  }
0x22: {  	_ = 	snop  }
0x23: {  	[tilespmem:s23], [sflag:$0x2] =	stream.indirect.gather [hbm4b:s3+s11], $0x40, s22, s11, $0xb8;
	[tilespmem:$0x16400] =	vst v63  }
0x24: {  	_ = 	snop  }
0x25: {  	[tilespmem:s25], [sflag:$0x2] =	stream.indirect.gather [hbm4b:s3+s11], $0x40, s24, s11, $0xb8;
	[tilespmem:$0x16400] =	vst v63  }
0x26: {  	_ =	swait.ge [sflag:s26], $0x2000  }
0x27: {  	[sflag:s26] =	ssyncset.done $0x0  }
0x28: {  	[sflag:s26] =	ssyncadd.s32 $0xFFFFE000  }
0x29: {  	_ =	swait.ge [sflag:s26], $0x2000  }
0x2a: {  	[sflag:s26] =	ssyncset.done $0x0  }
0x2b: {  	[sflag:s26] =	ssyncadd.s32 $0xFFFFE000  }
0x2c: {  	_ =	swait.ge [sflag:s26], $0x2000  }
0x2d: {  	[sflag:s26] =	ssyncset.done $0x0  }
0x2e: {  	[sflag:s26] =	ssyncadd.s32 $0xFFFFE000  }
0x2f: {  	_ =	swait.ge [sflag:s26], $0x2000  }
0x30: {  	[sflag:s26] =	ssyncset.done $0x0  }
0x31: {  	[sflag:s26] =	ssyncadd.s32 $0xFFFFE000  }
0x32: {  	[hbm4b:s9+s2] =	stream.linear.scatter [tilespmem:s12], [sflag:$0x3], $0x8000, $0x38;
	[tilespmem:$0x16400] =	vst v63  }
0x33: {  	_ =	swait.ge [sflag:s28], $0x8000  }
0x34: {  	[sflag:s28] =	ssyncset.done $0x0  }
0x35: {  	s14 =	simm.s32 $0x400;
	[sflag:s28] =	ssyncadd.s32 $0xFFFF8000  }
0x36: {  	[tilespmem:s12], [sflag:$0x1] =	stream.indirect.gather [hbm4b:s3+s11], $0x40, s14, s11, $0xb8;
	[tilespmem:$0x16400] =	vst v63  }
0x37: {  	s16 =	simm.s32 $0x480  }
0x38: {  	[tilespmem:s13], [sflag:$0x1] =	stream.indirect.gather [hbm4b:s3+s11], $0x40, s16, s11, $0xb8;
	[tilespmem:$0x16400] =	vst v63  }
0x39: {  	s18 =	simm.s32 $0x500  }
0x3a: {  	[tilespmem:s15], [sflag:$0x1] =	stream.indirect.gather [hbm4b:s3+s11], $0x40, s18, s11, $0xb8;
	[tilespmem:$0x16400] =	vst v63  }
0x3b: {  	s1 =	simm.s32 $0x580  }
0x3c: {  	[tilespmem:s17], [sflag:$0x1] =	stream.indirect.gather [hbm4b:s3+s11], $0x40, s1, s11, $0xb8;
	[tilespmem:$0x16400] =	vst v63  }
0x3d: {  	_ =	swait.ge [sflag:s29], $0x2000  }
0x3e: {  	[sflag:s29] =	ssyncset.done $0x0  }
0x3f: {  	[sflag:s29] =	ssyncadd.s32 $0xFFFFE000  }
0x40: {  	_ =	swait.ge [sflag:s29], $0x2000  }
0x41: {  	[sflag:s29] =	ssyncset.done $0x0  }
0x42: {  	[sflag:s29] =	ssyncadd.s32 $0xFFFFE000  }
0x43: {  	_ =	swait.ge [sflag:s29], $0x2000  }
0x44: {  	[sflag:s29] =	ssyncset.done $0x0  }
0x45: {  	[sflag:s29] =	ssyncadd.s32 $0xFFFFE000  }
0x46: {  	_ =	swait.ge [sflag:s29], $0x2000  }
0x47: {  	[sflag:s29] =	ssyncset.done $0x0  }
0x48: {  	[sflag:s29] =	ssyncadd.s32 $0xFFFFE000  }
0x49: {  	[hbm4b:s8+s2] =	stream.linear.scatter [tilespmem:s19], [sflag:$0x4], $0x8000, $0x38;
	[tilespmem:$0x16400] =	vst v63  }
0x4a: {  	_ =	swait.ge [sflag:s30], $0x8000  }
0x4b: {  	[sflag:s30] =	ssyncset.done $0x0  }
0x4c: {  	s14 =	simm.s32 $0x600;
	[sflag:s30] =	ssyncadd.s32 $0xFFFF8000  }
0x4d: {  	[tilespmem:s19], [sflag:$0x2] =	stream.indirect.gather [hbm4b:s3+s11], $0x40, s14, s11, $0xb8;
	[tilespmem:$0x16400] =	vst v63  }
0x4e: {  	s0 =	sadd.s32 $0x2000, s8;
	s16 =	simm.s32 $0x680;
	s18 =	simm.s32 $0x700  }
0x4f: {  	[tilespmem:s21], [sflag:$0x2] =	stream.indirect.gather [hbm4b:s3+s11], $0x40, s16, s11, $0xb8;
	[tilespmem:$0x16400] =	vst v63  }
0x50: {  	s1 =	simm.s32 $0x1000;
	s14 =	sadd.s32 $0x2000, s9;
	s16 =	simm.s32 $0x780  }
0x51: {  	[tilespmem:s23], [sflag:$0x2] =	stream.indirect.gather [hbm4b:s3+s11], $0x40, s18, s11, $0xb8;
	[tilespmem:$0x16400] =	vst v63  }
.LBB2_2:
0x52: {  	[tilespmem:s25], [sflag:$0x2] =	stream.indirect.gather [hbm4b:s3+s11], $0x40, s16, s11, $0xb8;
	[tilespmem:$0x16400] =	vst v63  }
0x53: {  	s16 =	smov.u32 s1  }
0x54: {  	p0 =	sne.s32 s1, $0x17000;
	s1 =	sadd.s32 $0x1000, s1;
	_ =	swait.ge [sflag:s26], $0x2000  }
0x55: {  	[sflag:s26] =	ssyncset.done $0x0  }
0x56: {  	[sflag:s26] =	ssyncadd.s32 $0xFFFFE000  }
0x57: {  	_ =	swait.ge [sflag:s26], $0x2000  }
0x58: {  	[sflag:s26] =	ssyncset.done $0x0  }
0x59: {  	[sflag:s26] =	ssyncadd.s32 $0xFFFFE000  }
0x5a: {  	_ =	swait.ge [sflag:s26], $0x2000  }
0x5b: {  	[sflag:s26] =	ssyncset.done $0x0  }
0x5c: {  	[sflag:s26] =	ssyncadd.s32 $0xFFFFE000  }
0x5d: {  	_ =	swait.ge [sflag:s26], $0x2000  }
0x5e: {  	[sflag:s26] =	ssyncset.done $0x0  }
0x5f: {  	[sflag:s26] =	ssyncadd.s32 $0xFFFFE000  }
0x60: {  	[hbm4b:s14+s2] =	stream.linear.scatter [tilespmem:s12], [sflag:$0x3], $0x8000, $0x38;
	[tilespmem:$0x16400] =	vst v63  }
0x61: {  	_ =	swait.ge [sflag:s28], $0x8000  }
0x62: {  	s16 =	sshra.s32 s16, $0x2;
	[sflag:s28] =	ssyncset.done $0x0  }
0x63: {  	s18 =	sadd.s32 $0x400, s16;
	[sflag:s28] =	ssyncadd.s32 $0xFFFF8000  }
0x64: {  	[tilespmem:s12], [sflag:$0x1] =	stream.indirect.gather [hbm4b:s3+s11], $0x40, s18, s11, $0xb8;
	[tilespmem:$0x16400] =	vst v63  }
0x65: {  	s18 =	sadd.s32 $0x480, s16  }
0x66: {  	[tilespmem:s13], [sflag:$0x1] =	stream.indirect.gather [hbm4b:s3+s11], $0x40, s18, s11, $0xb8;
	[tilespmem:$0x16400] =	vst v63  }
0x67: {  	s18 =	sadd.s32 $0x500, s16  }
0x68: {  	[tilespmem:s15], [sflag:$0x1] =	stream.indirect.gather [hbm4b:s3+s11], $0x40, s18, s11, $0xb8;
	[tilespmem:$0x16400] =	vst v63  }
0x69: {  	s18 =	sadd.s32 $0x580, s16  }
0x6a: {  	[tilespmem:s17], [sflag:$0x1] =	stream.indirect.gather [hbm4b:s3+s11], $0x40, s18, s11, $0xb8;
	[tilespmem:$0x16400] =	vst v63  }
0x6b: {  	_ =	swait.ge [sflag:s29], $0x2000  }
0x6c: {  	[sflag:s29] =	ssyncset.done $0x0  }
0x6d: {  	[sflag:s29] =	ssyncadd.s32 $0xFFFFE000  }
0x6e: {  	_ =	swait.ge [sflag:s29], $0x2000  }
0x6f: {  	[sflag:s29] =	ssyncset.done $0x0  }
0x70: {  	[sflag:s29] =	ssyncadd.s32 $0xFFFFE000  }
0x71: {  	_ =	swait.ge [sflag:s29], $0x2000  }
0x72: {  	[sflag:s29] =	ssyncset.done $0x0  }
0x73: {  	[sflag:s29] =	ssyncadd.s32 $0xFFFFE000  }
0x74: {  	_ =	swait.ge [sflag:s29], $0x2000  }
0x75: {  	[sflag:s29] =	ssyncset.done $0x0  }
0x76: {  	[sflag:s29] =	ssyncadd.s32 $0xFFFFE000  }
0x77: {  	[hbm4b:s0+s2] =	stream.linear.scatter [tilespmem:s19], [sflag:$0x4], $0x8000, $0x38;
	[tilespmem:$0x16400] =	vst v63  }
0x78: {  	_ =	swait.ge [sflag:s30], $0x8000  }
0x79: {  	[sflag:s30] =	ssyncset.done $0x0  }
0x7a: {  	s18 =	sadd.s32 $0x600, s16;
	[sflag:s30] =	ssyncadd.s32 $0xFFFF8000  }
0x7b: {  	[tilespmem:s19], [sflag:$0x2] =	stream.indirect.gather [hbm4b:s3+s11], $0x40, s18, s11, $0xb8;
	[tilespmem:$0x16400] =	vst v63  }
.Ltmp0:
0x7c: {  	s18 =	sadd.s32 $0x680, s16;
	(pc) =	sbr.rel @p0 .LBB2_2-.Ltmp0, $4  }
0x7d: {  	[tilespmem:s21], [sflag:$0x2] =	stream.indirect.gather [hbm4b:s3+s11], $0x40, s18, s11, $0xb8;
	[tilespmem:$0x16400] =	vst v63  }
0x7e: {  	s18 =	sadd.s32 $0x700, s16  }
0x7f: {  	[tilespmem:s23], [sflag:$0x2] =	stream.indirect.gather [hbm4b:s3+s11], $0x40, s18, s11, $0xb8;
	[tilespmem:$0x16400] =	vst v63  }
0x80: {  	s14 =	sadd.s32 $0x2000, s14;
	s0 =	sadd.s32 $0x2000, s0;
	s16 =	sadd.s32 $0x780, s16  }
0x81: {  	[tilespmem:s25], [sflag:$0x2] =	stream.indirect.gather [hbm4b:s3+s11], $0x40, s16, s11, $0xb8;
	[tilespmem:$0x16400] =	vst v63  }
0x82: {  	_ =	swait.ge [sflag:s26], $0x2000  }
0x83: {  	[sflag:s26] =	ssyncset.done $0x0  }
0x84: {  	[sflag:s26] =	ssyncadd.s32 $0xFFFFE000  }
0x85: {  	_ =	swait.ge [sflag:s26], $0x2000  }
0x86: {  	[sflag:s26] =	ssyncset.done $0x0  }
0x87: {  	[sflag:s26] =	ssyncadd.s32 $0xFFFFE000  }
0x88: {  	_ =	swait.ge [sflag:s26], $0x2000  }
0x89: {  	[sflag:s26] =	ssyncset.done $0x0  }
0x8a: {  	[sflag:s26] =	ssyncadd.s32 $0xFFFFE000  }
0x8b: {  	_ =	swait.ge [sflag:s26], $0x2000  }
0x8c: {  	[sflag:s26] =	ssyncset.done $0x0  }
0x8d: {  	[sflag:s26] =	ssyncadd.s32 $0xFFFFE000  }
0x8e: {  	[hbm4b:s5+s2] =	stream.linear.scatter [tilespmem:s12], [sflag:$0x3], $0x8000, $0x38;
	[tilespmem:$0x16400] =	vst v63  }
0x8f: {  	_ =	swait.ge [sflag:s29], $0x2000  }
0x90: {  	[sflag:s29] =	ssyncset.done $0x0  }
0x91: {  	[sflag:s29] =	ssyncadd.s32 $0xFFFFE000  }
0x92: {  	_ =	swait.ge [sflag:s29], $0x2000  }
0x93: {  	[sflag:s29] =	ssyncset.done $0x0  }
0x94: {  	[sflag:s29] =	ssyncadd.s32 $0xFFFFE000  }
0x95: {  	_ =	swait.ge [sflag:s29], $0x2000  }
0x96: {  	[sflag:s29] =	ssyncset.done $0x0  }
0x97: {  	[sflag:s29] =	ssyncadd.s32 $0xFFFFE000  }
0x98: {  	_ =	swait.ge [sflag:s29], $0x2000  }
0x99: {  	[sflag:s29] =	ssyncset.done $0x0  }
0x9a: {  	s31 =	sadd.s32 $0x1, s31;
	[sflag:s29] =	ssyncadd.s32 $0xFFFFE000  }
0x9b: {  	[hbm4b:s6+s2] =	stream.linear.scatter [tilespmem:s19], [sflag:$0x4], $0x8000, $0x38;
	[tilespmem:$0x16400] =	vst v63  }
0x9c: {  	p0 =	sne.s32 s31, s7;
	_ =	swait.ge [sflag:s28], $0x8000  }
.Ltmp1:
0x9d: {  	[sflag:s28] =	ssyncset.done $0x0;
	(pc) =	sbr.rel @p0 .LBB2_1-.Ltmp1, $4  }
0x9e: {  	[sflag:s28] =	ssyncadd.s32 $0xFFFF8000  }
0x9f: {  	_ =	swait.ge [sflag:s30], $0x8000  }
0xa0: {  	[sflag:s30] =	ssyncset.done $0x0  }
0xa1: {  	[sflag:s30] =	ssyncadd.s32 $0xFFFF8000  }
0xa2: {  	_ =	sfence.sel $0x180000  }
0xa3: {  	[bflag:$0x0] =	sbarrier.arrive $0xFFFF  }
0xa4: {  	_ =	strace $0x90000047  }
0xa5: {  	s0 =	stileid.u32;
	[bflag:$0x2] =	sbarrier.arrive $0xFFFF  }
0xa6: {  	p0 =	sne.s32 s0, $0x0;
	s0 =	rddreg [dreg:$0x3]  }
0xa7: {  	s0 =	sadd.s32 @!p0 $0x100000, s0  }
0xa8: {  	[sflag:s0] =	ssyncadd.tile.s32 @!p0 $0x1;
	_ =	shalt  }
.Lfunc_end2:
_tile_overlayer_lowered:
.L_overlay_start_2:
0xa9: {  	(tag) =	ssettag $0x2  }
0xaa: {  	s0 =	rddreg [dreg:$0x0];
	s2 =	stileid.u32  }
0xab: {  	s1 =	rddreg [dreg:$0x1];
	p0 =	sne.s32 s2, $0x0  }
0xac: {  	s3 =	rddreg [dreg:$0x2];
	[bflag:$0x3] =	sbarrier.arrive $0xFFFF;
	s2 =	simm.s32 @!p0 $0x1C05  }
0xad: {  	[timem:s3], [sflag:s2] =	dma.local @!p0 [hbm:s0], s1  }
0xae: {  	s0 =	simm.s32 @!p0 $0x5  }
0xaf: {  	_ =	swait.ge @!p0 [sflag:s0], s1  }
0xb0: {  	s1 =	ssub.s32 @!p0 $0x0, s1;
	[sflag:s0] =	ssyncset.done @!p0 $0x0  }
0xb1: {  	[sflag:s0] =	ssyncadd.s32 @!p0 s1  }
0xb2: {  	[bflag:$0x3] =	sbarrier.arrive $0xFFFF  }
0xb3: {  	_ =	shalt  }

// kernel: sparse-core-data-format-call.cloned.1.call-start
scs
called_computation_lowered:
.L_overlay_start_0:
0x0: {  	s2 =	sld [smem:$0x3FD9]  }
0x1: {  	s3 =	sld [smem:$0x3FFE];
	_ =	sdelay $0x1  }
0x2: {  	s1 =	srdreg.scid  }
0x3: {  	s0 =	sand.u32 $0x1, s1  }
0x4: {  	s18 =	sshll.u32 s0, $0xA;
	s2 =	sadd.s32 s3, s2  }
0x5: {  	s2 =	sadd.s32 s2, s18  }
0x6: {  	[smem:$0x3FC6] =	sst s2  }
0x7: {  	_ = 	snop  }
0x8: {  	s2 =	sld [smem:$0x3FD0];
	(tm) =	ssettm $0x1  }
0x9: {  	s19 =	sld [smem:$0x3FFB];
	_ =	sdelay $0x3  }
0xa: {  	_ =	strace s19  }
0xb: {  	s3 =	sld [smem:$0x3FFC];
	_ =	sdelay $0x3  }
0xc: {  	_ =	strace s3  }
0xd: {  	s3 =	sld [smem:$0x3FFD];
	_ =	sdelay $0x3  }
0xe: {  	_ =	strace s3  }
0xf: {  	_ =	strace $0x8FFFFFFF  }
0x10: {  	s20 =	sld [smem:$0x3FDB];
	_ =	sdelay $0x1  }
0x11: {  	s4 =	simm.s32 $_scs_section_size  }
0x12: {  	s5 =	simm.s32 $_size__tile_overlayer_lowered;
	s6 =	simm.s32 $_tile_overlayer_lowered  }
0x13: {  	s23 =	simm.s32 $0x1BFF;
	s22 =	sshll.u32 s6, $0x1;
	s3 =	sadd.s32 s4, s20  }
0x14: {  	s7 =	simm.s32 $0x0;
	s21 =	sshll.u32 s5, $0x1;
	s5 =	sadd.s32 s22, s3  }
0x15: {  	[timem:s7], [sflag:s23] =	dma.local [hbm:s5], s21  }
0x16: {  	_ =	swait.ge [sflag:s23], s21  }
0x17: {  	s4 =	ssub.s32 $0x0, s21;
	[sflag:s23] =	ssyncset.done $0x0  }
0x18: {  	[sflag:s23] =	ssyncadd.s32 s4;
	_ =	sdelay $0x1  }
0x19: {  	s24 =	simm.s32 $0x1B8B  }
0x1a: {  	_ =	swait.ge [sflag:s24], $0x1  }
0x1b: {  	[sflag:s24] =	ssyncset.done $0x0  }
0x1c: {  	s26 =	simm.s32 $0x1B8E;
	s25 =	sld [smem:$0x3FFE];
	[sflag:s24] =	ssyncadd.s32 $0xFFFFFFFF  }
0x1d: {  	s27 =	simm.s32 $execute0_lowered;
	[smem:$0x3FD2] =	sst s26  }
0x1e: {  	s5 =	sshll.u32 s27, $0x1;
	_ =	strace $0x80000049;
	[dreg:$0x1] =	wrdreg $0xFFFFFFFF  }
0x1f: {  	s28 =	simm.s32 $_size_execute0_lowered;
	s3 =	sadd.s32 s3, s5;
	[dreg:$0x0] =	wrdreg $0x0  }
0x20: {  	s5 =	sshll.u32 s28, $0x1;
	[dreg:$0x2] =	wrdreg s3  }
0x21: {  	[dreg:$0x3] =	wrdreg s5  }
0x22: {  	[dreg:$0x4] =	wrdreg $0xC0  }
0x23: {  	_ =	task [dreg:s7], $0x5FFFF  }
0x24: {  	[dreg:$0x1] =	wrdreg $0xFFFFFFFF  }
0x25: {  	[dreg:$0x0] =	wrdreg $0x60  }
0x26: {  	[dreg:$0x2] =	wrdreg s25  }
0x27: {  	[dreg:$0x3] =	wrdreg s2  }
0x28: {  	[dreg:$0x4] =	wrdreg $0x9  }
0x29: {  	_ =	task.clear_ibuf [dreg:s7], $0x5FFFF;
	_ =	strace $0x90000049  }
0x2a: {  	s29 =	simm.s32 $0x9;
	_ =	strace $0x8000004B  }
0x2b: {  	_ =	swait.ge [sflag:s29], $0x1  }
0x2c: {  	[sflag:s29] =	ssyncadd.s32 $0xFFFFFFFF  }
0x2d: {  	_ =	strace $0x9000004B  }
0x2e: {  	_ =	sfence  }
0x2f: {  	s30 =	sld [smem:$0x0];
	_ =	sdelay $0x2  }
0x30: {  	s31 =	sshll.u32 s1, $0xD;
	s1 =	sshrl.u32 s1, $0x2  }
0x31: {  	s3 =	sand.u32 $0x4000, s31;
	s1 =	sadd.s32 s1, s30  }
0x32: {  	s0 =	sor.u32 s3, s0;
	s1 =	sshll.u32 s1, $0x11  }
0x33: {  	s0 =	sor.u32 s1, s0  }
0x34: {  	s0 =	sadd.s32 $0x8F2B, s0  }
0x35: {  	[sflag:s0] =	ssyncadd.remote.s32 $0x1  }
0x36: {  	_ =	sfence.sel $0xFFFF  }
0x37: {  	[dreg:$0x0] =	wrdreg $0xFFFFFFFF;
	(pc) =	sbr.abs _section_cstart, $3  }
0x38: {  	[dreg:$0x1] =	wrdreg $0xFFFFFFFF  }
0x39: {  	_ =	task.clear_ibuf [dreg:s7], $0x2FFFF;
	_ =	strace $0x9FFFFFFF  }
0x3a: {  	(tm) =	ssettm $0x7FFFFFFF  }
0x3b: {  	_ =	shalt  }
tec
execute0_lowered:
.L_overlay_start_1:
0x0: {  	(tag) =	ssettag $0x1  }
0x1: {  	s0 =	srdreg.scid  }
0x2: {  	s1 =	sshll.u32 s0, $0x4  }
0x3: {  	s4 =	rddreg [dreg:$0x0];
	s0 =	stileid.u32;
	s1 =	sand.u32 $0x10, s1  }
0x4: {  	s2 =	rddreg [dreg:$0x1];
	s7 =	simm.s32 $0x1;
	s1 =	sor.u32 s0, s1  }
0x5: {  	s8 =	simm.s32 $0x2;
	s11 =	simm.s32 $0x0;
	s3 =	sshll.u32 s1, $0x1  }
0x6: {  	s10 =	simm.s32 $0x0;
	s4 =	sadd.s32 $0x800, s4;
	s6 =	ssub.s32 $0x1900, s3  }
.Ltmp0:
0x7: {  	s1 =	rddreg [dreg:$0x2];
	s5 =	sand.u32 $0x3E, s6;
	(pc) =	sbr.rel .LBB1_1-.Ltmp0, $4  }
0x8: {  	_ =	strace $0x8000004A;
	s9 =	smov.u32 s3;
	p0 =	sne.s32 s5, $0x0  }
0x9: {  	s6 =	sshrl.u32 s6, $0x6;
	s5 =	simm.s32 $0x1;
	s7 =	simm.s32 @!p0 $0x0  }
0xa: {  	[sflag:s5] =	ssyncpa.u1 $0x0;
	p0 =	por $0x0, $0x0;
	s6 =	sadd.s32 s7, s6  }
0xb: {  	[sflag:s8] =	ssyncpa.u1 $0x0;
	s8 =	simm.s32 $0x0;
	s7 =	sadd.s32 $0x1, s6  }
.LBB1_7:
0xc: {  	s13 =	sadd.s32 $0x40, s9  }
0xd: {  	p2 =	sgt.s32 s13, $0x18FF  }
0xe: {  	s13 =	smov.u32 @p2 s3;
	p2 =	sne.s32 s10, s7  }
.Ltmp1:
0xf: {  	p1 =	slt.u32 s10, $0x2;
	(pc) =	sbr.rel @!p2 .LBB1_8-.Ltmp1, $4  }
0x10: {  	s12 =	simm.s32 @!p1 $0x2  }
0x11: {  	s14 =	sadd.s32 $0x1, s10;
	_ =	swait.ge @!p1 [sflag:s12], $0x4000  }
0x12: {  	s11 =	smov.u32 s9;
	p0 =	por !p0, !p0;
	[sflag:s12] =	ssyncset.done @!p1 $0x0  }
0x13: {  	s10 =	smov.u32 s14;
	s9 =	smov.u32 s13;
	[sflag:s12] =	ssyncadd.s32 @!p1 $0xFFFFC000  }
.LBB1_1:
0x14: {  	p1 =	sge.u32 s10, s6  }
0x15: {  	s31 =	sadd.s32 $0xFFFFFFFF, s10;
	s12 =	sxor.u32 @!p1 $0xFFFFFFFF, s10  }
0x16: {  	s13 =	sshll.u32 @!p1 s9, $0xB;
	s14 =	simm.s32 @!p1 $0x40;
	s12 =	sshll.u32 @!p1 s12, $0xE  }
0x17: {  	s15 =	simm.s32 @!p1 $0x80;
	s13 =	sadd.s32 @!p1 s4, s13;
	s12 =	sand.u32 @!p1 $0x4000, s12  }
0x18: {  	[tilespmem:s12], [sflag:$0x1] =	stream.strided.gather @!p1 [hbm4b:s13+s14], $0x4000, s15, s14, $0x38;
	[tilespmem:$0x10100] =	vst v63  }
0x19: {  	p1 =	sge.u32 s31, s6  }
.Ltmp2:
0x1a: {  	_ = 	snop;
	(pc) =	sbr.rel @p1 .LBB1_7-.Ltmp2, $1  }
0x1b: {  	_ =	sdelay $0x3  }
0x1c: {  	s12 =	simm.s32 $0x1;
	s14 =	sand.u32 $0x1, s10  }
0x1d: {  	_ =	swait.ge [sflag:s5], $0x4000;
	s12 =	simm.s32 @!p0 $0x0;
	s14 =	smul.u32 $0x10200, s14  }
0x1e: {  	p2 =	por $0x1, $0x1;
	[sflag:s5] =	ssyncset.done $0x0;
	s13 =	smul.u32 $0x10200, s12  }
0x1f: {  	s15 =	sshll.u32 s12, $0x10;
	[sflag:s5] =	ssyncadd.s32 $0xFFFFC000;
	s30 =	sshrl.u32 s14, $0x2  }
0x20: {  	s31 =	sshrl.u32 s15, $0x2;
	s15 =	simm.s32 $0x0;
	s13 =	sshrl.u32 s13, $0x2  }
0x21: {  	s12 =	sor.u32 $0x8000, s30;
	s14 =	sadd.s32 $0x20, s31;
	s13 =	sor.u32 $0x8000, s13  }
.LBB1_3:
0x22: {  	s16 =	sshll.u32 s15, $0xD  }
0x23: {  	s16 =	sand.u32 $0x3FFFE000, s16  }
0x24: {  	s18 =	sadd.s32 s16, s14  }
0x25: {  	s31 =	smul.u32 $0x8100, s15;
	v3 =	vld [tilespmem:s18+$0x10]  }
0x26: {  	v1 =	vld [tilespmem:s18+$0xFFFFFFF0]  }
0x27: {  	s15 =	sshra.s32 s31, $0x2;
	v0 =	vld [tilespmem:s18+$0x0]  }
0x28: {  	s15 =	sadd.s32 s15, s13;
	v2 =	vld [tilespmem:s18+$0xFFFFFFE0]  }
0x29: {  	s16 =	sadd.s32 $0x0, s15  }
0x2a: {  	p1 =	por p2, p2;
	s17 =	simm.s32 $0x4;
	s18 =	sadd.s32 $0x40, s18;
	[tilespmem:s16+$0x1830 ss:$0x81] =	vst.msk $0xffff, v3  }
.LBB1_4:
0x2b: {  	v3 =	vld [tilespmem:s18+$0x10];
	p2 =	sne.s32 s17, $0x1FC;
	[tilespmem:s16+$0x810 ss:$0x81] =	vst.msk $0xffff, v1;
	s19 =	smov.u32 s17;
	s17 =	sadd.s32 $0x4, s17  }
.Ltmp3:
0x2c: {  	v1 =	vld [tilespmem:s18+$0xFFFFFFF0];
	[tilespmem:s16+$0x1020 ss:$0x81] =	vst.msk $0xffff, v0;
	(pc) =	sbr.rel @p2 .LBB1_4-.Ltmp3, $4  }
0x2d: {  	v0 =	vld [tilespmem:s18+$0x0];
	[tilespmem:s16+$0x0 ss:$0x81] =	vst.msk $0xffff, v2  }
0x2e: {  	s16 =	sshra.s32 s19, $0x2;
	v2 =	vld [tilespmem:s18+$0xFFFFFFE0]  }
0x2f: {  	s16 =	sadd.s32 s16, s15  }
0x30: {  	s18 =	sadd.s32 $0x40, s18;
	[tilespmem:s16+$0x1830 ss:$0x81] =	vst.msk $0xffff, v3  }
.Ltmp4:
0x31: {  	(pc) =	sbr.rel @p1 .LBB1_3-.Ltmp4, $4  }
0x32: {  	_ = 	snop  }
0x33: {  	[tilespmem:s16+$0x810 ss:$0x81] =	vst.msk $0xffff, v1  }
0x34: {  	[tilespmem:s16+$0x1020 ss:$0x81] =	vst.msk $0xffff, v0  }
0x35: {  	s15 =	simm.s32 $0x1;
	p2 =	por $0x0, $0x0;
	[tilespmem:s16+$0x0 ss:$0x81] =	vst.msk $0xffff, v2  }
.Ltmp5:
0x36: {  	(pc) =	sbr.rel .LBB1_7-.Ltmp5, $4  }
0x37: {  	_ = 	snop  }
0x38: {  	s11 =	sshll.u32 s11, $0xA  }
0x39: {  	s11 =	sadd.s32 s2, s11  }
0x3a: {  	[hbm4b:s11+s8] =	stream.linear.scatter [tilespmem:s12], [sflag:$0x2], $0x4000, $0x20;
	[tilespmem:$0x10100] =	vst v63  }
.LBB1_8:
0x3b: {  	_ =	sfence.sel $0x180000  }
0x3c: {  	s2 =	simm.s32 $0x1;
	[bflag:$0x0] =	sbarrier.arrive $0xFFFF  }
0x3d: {  	s31 =	simm.s32 $0x2;
	[sflag:s2] =	ssyncpa.u1 $0x1  }
0x3e: {  	[sflag:s31] =	ssyncpa.u1 $0x1  }
0x3f: {  	p0 =	sne.s32 s0, $0x0;
	_ =	strace $0x9000004A  }
0x40: {  	s0 =	sadd.s32 @!p0 $0x100000, s1;
	[bflag:$0x2] =	sbarrier.arrive $0xFFFF  }
0x41: {  	[sflag:s0] =	ssyncadd.tile.s32 @!p0 $0x1;
	_ =	shalt  }
.Lfunc_end1:
_tile_overlayer_lowered:
.L_overlay_start_2:
0x42: {  	(tag) =	ssettag $0x2  }
0x43: {  	s0 =	rddreg [dreg:$0x0];
	s2 =	stileid.u32  }
0x44: {  	s1 =	rddreg [dreg:$0x1];
	p0 =	sne.s32 s2, $0x0  }
0x45: {  	s3 =	rddreg [dreg:$0x2];
	[bflag:$0x3] =	sbarrier.arrive $0xFFFF;
	s2 =	simm.s32 @!p0 $0x1C01  }
0x46: {  	[timem:s3], [sflag:s2] =	dma.local @!p0 [hbm:s0], s1  }
0x47: {  	s0 =	simm.s32 @!p0 $0x1  }
0x48: {  	_ =	swait.ge @!p0 [sflag:s0], s1  }
0x49: {  	s1 =	ssub.s32 @!p0 $0x0, s1;
	[sflag:s0] =	ssyncset.done @!p0 $0x0  }
0x4a: {  	[sflag:s0] =	ssyncadd.s32 @!p0 s1  }
0x4b: {  	[bflag:$0x3] =	sbarrier.arrive $0xFFFF  }
0x4c: {  	_ =	shalt  }

</sc_bundles>
